<compile_context>
chip_gen: v7x
topology: tpu7x:2x2x1
jax: 0.10.2.dev20260603
libtpu: 0.0.44.dev20260713+nightly
codegen_flags: <defaults>
</compile_context>

<pallas_src>
import jax
import jax.numpy as jnp
from jax import lax
from jax.experimental import pallas as pl
from jax.experimental.pallas import tpu as pltpu, tpu_sc as plsc

_B = 16384
_NC, _NS, _L = 2, 16, 16
_NW = _NC * _NS
_BPW = _B // _NW
_CHUNKS = _BPW // _L


def _body(a_hbm, b_hbm, h_hbm, dw_hbm, cw_hbm, outd_hbm, outc_hbm,
          a_v, b_v, h_v, dw_v, cw_v, outd_v, outc_v, sem_in, sem_out):
    wid = lax.axis_index("s") * _NC + lax.axis_index("c")
    base = wid * _BPW

    cp_a = pltpu.async_copy(a_hbm.at[pl.ds(base, _BPW)], a_v, sem_in)
    cp_b = pltpu.async_copy(b_hbm.at[pl.ds(base, _BPW)], b_v, sem_in)
    cp_h = pltpu.async_copy(h_hbm.at[:, pl.ds(base, _BPW)], h_v, sem_in)
    cp_dw = pltpu.async_copy(dw_hbm, dw_v, sem_in)
    cp_cw = pltpu.async_copy(cw_hbm, cw_v, sem_in)
    cp_a.wait()
    cp_b.wait()
    cp_h.wait()
    cp_dw.wait()
    cp_cw.wait()

    lane = lax.iota(jnp.int32, _L)
    zero = jnp.zeros((_L,), jnp.int32)
    one = zero + 1
    gvecs = [zero + g for g in range(10)]

    @plsc.parallel_loop(0, _CHUNKS, unroll=4)
    def chunk(c):
        off = c * _L
        a = a_v[pl.ds(off, _L)]
        b = b_v[pl.ds(off, _L)]
        row = lane + off
        h0 = plsc.load_gather(h_v, [zero, row])
        h1 = plsc.load_gather(h_v, [one, row])
        carry100 = jnp.where(h1 > h0, 100, 0)
        idx = carry100 + a * 10 + b
        for g in range(10):
            val = plsc.load_gather(dw_v, [gvecs[g], idx])
            plsc.store_scatter(outd_v, [gvecs[g], row], val)
        for g in range(2):
            val = plsc.load_gather(cw_v, [gvecs[g], idx])
            plsc.store_scatter(outc_v, [gvecs[g], row], val)

    cp_od = pltpu.async_copy(outd_v, outd_hbm.at[:, pl.ds(base, _BPW)],
                             sem_out)
    cp_oc = pltpu.async_copy(outc_v, outc_hbm.at[:, pl.ds(base, _BPW)],
                             sem_out)
    cp_od.wait()
    cp_oc.wait()


@jax.jit
def kernel(a_t, b_t, h_t, next_carry_w, digit_w):
    mesh = plsc.VectorSubcoreMesh(
        core_axis_name="c", subcore_axis_name="s",
        num_cores=_NC, num_subcores=_NS)
    run = pl.kernel(
        _body,
        out_type=(
            jax.ShapeDtypeStruct((10, _B), jnp.float32),
            jax.ShapeDtypeStruct((2, _B), jnp.float32),
        ),
        mesh=mesh,
        compiler_params=pltpu.CompilerParams(needs_layout_passes=False),
        scratch_types=[
            pltpu.VMEM((_BPW,), jnp.int32),
            pltpu.VMEM((_BPW,), jnp.int32),
            pltpu.VMEM((2, _BPW), jnp.float32),
            pltpu.VMEM((10, 200), jnp.float32),
            pltpu.VMEM((2, 200), jnp.float32),
            pltpu.VMEM((10, _BPW), jnp.float32),
            pltpu.VMEM((2, _BPW), jnp.float32),
            pltpu.SemaphoreType.DMA,
            pltpu.SemaphoreType.DMA,
        ],
    )
    outd_t, outc_t = run(a_t.astype(jnp.int32), b_t.astype(jnp.int32),
                         h_t.T, digit_w.T, next_carry_w.T)
    return outd_t.T, outc_t.T

# --- scband reference (transcript-rebuilt; emitter-appended) ---
"""Pipeline reference for scband-carry-adder-cell-35493609734238 (READ-ONLY COPY).

The authoritative reference and input builder live on the scoring server;
editing this copy changes nothing except your own understanding.
"""

import jax, jax.numpy as jnp
import numpy as np


def _build_tables():
    next_carry_table = np.zeros((200, 2), dtype=np.float32)
    digit_table = np.zeros((200, 10), dtype=np.float32)
    for carry in (0, 1):
        for a in range(10):
            for b in range(10):
                idx = carry * 100 + a * 10 + b
                total = a + b + carry
                out_digit = total % 10
                out_carry = total // 10
                next_carry_table[idx, out_carry] = 1.0
                digit_table[idx, out_digit] = 1.0
    return jnp.asarray(next_carry_table), jnp.asarray(digit_table)


def setup_inputs(seed: int = 0) -> dict:
    key = jax.random.key(seed)
    k1, k2, k3 = jax.random.split(key, 3)
    B = 16384
    a_t = jax.random.randint(k1, (B,), 0, 10, dtype=jnp.int64 if jax.config.read('jax_enable_x64') else jnp.int32)
    b_t = jax.random.randint(k2, (B,), 0, 10, dtype=a_t.dtype)
    h_t = jax.random.normal(k3, (B, 2), dtype=jnp.float32)
    next_carry_w, digit_w = _build_tables()
    return {"a_t": a_t, "b_t": b_t, "h_t": h_t, "next_carry_w": next_carry_w, "digit_w": digit_w}


def reference(a_t, b_t, h_t, next_carry_w, digit_w):
    carry_idx = jnp.argmax(h_t, axis=-1)
    pair_idx = a_t * 10 + b_t
    table_idx = carry_idx * 100 + pair_idx
    digit_logits = jnp.take(digit_w, table_idx, axis=0)
    h_next = jnp.take(next_carry_w, table_idx, axis=0)
    return (digit_logits, h_next)

if __name__ == "__main__":
    import jax
    _d = setup_inputs()
    print(jax.jit(kernel)(*tuple(_d.values())))

</pallas_src>

<mosaic_0001>
#map = affine_map<(d0, d1) -> (0)>
#map1 = affine_map<(d0, d1) -> (0, 0)>
module attributes {stable_mosaic.version = 14 : i64} {
  func.func @_body(%arg0: i32, %arg1: i32, %arg2: memref<16384xi32, #tpu.memory_space<hbm>>, %arg3: memref<16384xi32, #tpu.memory_space<hbm>>, %arg4: memref<2x16384xf32, #tpu.memory_space<hbm>>, %arg5: memref<10x200xf32, #tpu.memory_space<hbm>>, %arg6: memref<2x200xf32, #tpu.memory_space<hbm>>, %arg7: memref<10x16384xf32, #tpu.memory_space<hbm>>, %arg8: memref<2x16384xf32, #tpu.memory_space<hbm>>, %arg9: memref<512xi32, #tpu.memory_space<vmem>>, %arg10: memref<512xi32, #tpu.memory_space<vmem>>, %arg11: memref<2x512xf32, #tpu.memory_space<vmem>>, %arg12: memref<10x200xf32, #tpu.memory_space<vmem>>, %arg13: memref<2x200xf32, #tpu.memory_space<vmem>>, %arg14: memref<10x512xf32, #tpu.memory_space<vmem>>, %arg15: memref<2x512xf32, #tpu.memory_space<vmem>>, %arg16: memref<!tpu.dma_semaphore, #tpu.memory_space<semaphore_mem>>, %arg17: memref<!tpu.dma_semaphore, #tpu.memory_space<semaphore_mem>>) attributes {dimension_semantics = [#tpu.dimension_semantics<core_parallel>, #tpu.dimension_semantics<subcore_parallel>], iteration_bounds = array<i64: 2, 16>, scalar_prefetch = 0 : i64, scratch_operands = 9 : i64, tpu.core_type = #tpu.core_type<sc_vector_subcore>, window_params = [{transform_indices = #map}, {transform_indices = #map}, {transform_indices = #map1}, {transform_indices = #map1}, {transform_indices = #map1}, {transform_indices = #map1}, {transform_indices = #map1}]} {
    %mul3A = arith.constant 2 : i32
    %mul3A_0 = arith.muli %arg1, %mul3A : i32
    %add3A = arith.addi %mul3A_0, %arg0 : i32
    %mul3A_1 = arith.constant 512 : i32
    %mul3A_2 = arith.muli %add3A, %mul3A_1 : i32
    %dma_start3A = tpu.memref_slice %arg2[%mul3A_2] : memref<16384xi32, #tpu.memory_space<hbm>> -> memref<512xi32, #tpu.memory_space<hbm>>
    %dma_start3A_3 = tpu.memref_slice %arg2[%mul3A_2] : memref<16384xi32, #tpu.memory_space<hbm>> -> memref<512xi32, #tpu.memory_space<hbm>>
    tpu.enqueue_dma source(%dma_start3A_3 : memref<512xi32, #tpu.memory_space<hbm>>) target(%arg9 : memref<512xi32, #tpu.memory_space<vmem>>) target_semaphore(%arg16 : memref<!tpu.dma_semaphore, #tpu.memory_space<semaphore_mem>>)
    %dma_start3A_4 = tpu.memref_slice %arg3[%mul3A_2] : memref<16384xi32, #tpu.memory_space<hbm>> -> memref<512xi32, #tpu.memory_space<hbm>>
    %dma_start3A_5 = tpu.memref_slice %arg3[%mul3A_2] : memref<16384xi32, #tpu.memory_space<hbm>> -> memref<512xi32, #tpu.memory_space<hbm>>
    tpu.enqueue_dma source(%dma_start3A_5 : memref<512xi32, #tpu.memory_space<hbm>>) target(%arg10 : memref<512xi32, #tpu.memory_space<vmem>>) target_semaphore(%arg16 : memref<!tpu.dma_semaphore, #tpu.memory_space<semaphore_mem>>)
    %dma_start3A_6 = arith.constant 0 : i32
    %dma_start3A_7 = tpu.memref_slice %arg4[%dma_start3A_6, %mul3A_2] : memref<2x16384xf32, #tpu.memory_space<hbm>> -> memref<2x512xf32, #tpu.memory_space<hbm>>
    %dma_start3A_8 = arith.constant 0 : i32
    %dma_start3A_9 = tpu.memref_slice %arg4[%dma_start3A_8, %mul3A_2] : memref<2x16384xf32, #tpu.memory_space<hbm>> -> memref<2x512xf32, #tpu.memory_space<hbm>>
    tpu.enqueue_dma source(%dma_start3A_9 : memref<2x512xf32, #tpu.memory_space<hbm>>) target(%arg11 : memref<2x512xf32, #tpu.memory_space<vmem>>) target_semaphore(%arg16 : memref<!tpu.dma_semaphore, #tpu.memory_space<semaphore_mem>>)
    tpu.enqueue_dma source(%arg5 : memref<10x200xf32, #tpu.memory_space<hbm>>) target(%arg12 : memref<10x200xf32, #tpu.memory_space<vmem>>) target_semaphore(%arg16 : memref<!tpu.dma_semaphore, #tpu.memory_space<semaphore_mem>>)
    tpu.enqueue_dma source(%arg6 : memref<2x200xf32, #tpu.memory_space<hbm>>) target(%arg13 : memref<2x200xf32, #tpu.memory_space<vmem>>) target_semaphore(%arg16 : memref<!tpu.dma_semaphore, #tpu.memory_space<semaphore_mem>>)
    %dma_wait3A = tpu.memref_slice %arg2[%mul3A_2] : memref<16384xi32, #tpu.memory_space<hbm>> -> memref<512xi32, #tpu.memory_space<hbm>>
    %dma_wait3A_10 = tpu.memref_slice %arg2[%mul3A_2] : memref<16384xi32, #tpu.memory_space<hbm>> -> memref<512xi32, #tpu.memory_space<hbm>>
    tpu.wait_dma2 semaphore(%arg16 : memref<!tpu.dma_semaphore, #tpu.memory_space<semaphore_mem>>) src(%dma_wait3A_10 : memref<512xi32, #tpu.memory_space<hbm>>) dst(%arg9 : memref<512xi32, #tpu.memory_space<vmem>>)
    %dma_wait3A_11 = tpu.memref_slice %arg3[%mul3A_2] : memref<16384xi32, #tpu.memory_space<hbm>> -> memref<512xi32, #tpu.memory_space<hbm>>
    %dma_wait3A_12 = tpu.memref_slice %arg3[%mul3A_2] : memref<16384xi32, #tpu.memory_space<hbm>> -> memref<512xi32, #tpu.memory_space<hbm>>
    tpu.wait_dma2 semaphore(%arg16 : memref<!tpu.dma_semaphore, #tpu.memory_space<semaphore_mem>>) src(%dma_wait3A_12 : memref<512xi32, #tpu.memory_space<hbm>>) dst(%arg10 : memref<512xi32, #tpu.memory_space<vmem>>)
    %dma_wait3A_13 = arith.constant 0 : i32
    %dma_wait3A_14 = tpu.memref_slice %arg4[%dma_wait3A_13, %mul3A_2] : memref<2x16384xf32, #tpu.memory_space<hbm>> -> memref<2x512xf32, #tpu.memory_space<hbm>>
    %dma_wait3A_15 = arith.constant 0 : i32
    %dma_wait3A_16 = tpu.memref_slice %arg4[%dma_wait3A_15, %mul3A_2] : memref<2x16384xf32, #tpu.memory_space<hbm>> -> memref<2x512xf32, #tpu.memory_space<hbm>>
    tpu.wait_dma2 semaphore(%arg16 : memref<!tpu.dma_semaphore, #tpu.memory_space<semaphore_mem>>) src(%dma_wait3A_16 : memref<2x512xf32, #tpu.memory_space<hbm>>) dst(%arg11 : memref<2x512xf32, #tpu.memory_space<vmem>>)
    tpu.wait_dma2 semaphore(%arg16 : memref<!tpu.dma_semaphore, #tpu.memory_space<semaphore_mem>>) src(%arg5 : memref<10x200xf32, #tpu.memory_space<hbm>>) dst(%arg12 : memref<10x200xf32, #tpu.memory_space<vmem>>)
    tpu.wait_dma2 semaphore(%arg16 : memref<!tpu.dma_semaphore, #tpu.memory_space<semaphore_mem>>) src(%arg6 : memref<2x200xf32, #tpu.memory_space<hbm>>) dst(%arg13 : memref<2x200xf32, #tpu.memory_space<vmem>>)
    %iota3A = tpu.iota {dimensions = array<i32: 0>} : vector<16xi32>
    %broadcast_in_dim3A = arith.constant 0 : i32
    %broadcast_in_dim3A_17 = vector.broadcast %broadcast_in_dim3A : i32 to vector<16xi32>
    %add3A_18 = arith.constant 1 : i32
    %add3A_19 = vector.broadcast %add3A_18 : i32 to vector<16xi32>
    %add3A_20 = arith.addi %broadcast_in_dim3A_17, %add3A_19 : vector<16xi32>
    %add3A_21 = arith.constant 0 : i32
    %add3A_22 = vector.broadcast %add3A_21 : i32 to vector<16xi32>
    %add3A_23 = arith.addi %broadcast_in_dim3A_17, %add3A_22 : vector<16xi32>
    %add3A_24 = arith.constant 1 : i32
    %add3A_25 = vector.broadcast %add3A_24 : i32 to vector<16xi32>
    %add3A_26 = arith.addi %broadcast_in_dim3A_17, %add3A_25 : vector<16xi32>
    %add3A_27 = arith.constant 2 : i32
    %add3A_28 = vector.broadcast %add3A_27 : i32 to vector<16xi32>
    %add3A_29 = arith.addi %broadcast_in_dim3A_17, %add3A_28 : vector<16xi32>
    %add3A_30 = arith.constant 3 : i32
    %add3A_31 = vector.broadcast %add3A_30 : i32 to vector<16xi32>
    %add3A_32 = arith.addi %broadcast_in_dim3A_17, %add3A_31 : vector<16xi32>
    %add3A_33 = arith.constant 4 : i32
    %add3A_34 = vector.broadcast %add3A_33 : i32 to vector<16xi32>
    %add3A_35 = arith.addi %broadcast_in_dim3A_17, %add3A_34 : vector<16xi32>
    %add3A_36 = arith.constant 5 : i32
    %add3A_37 = vector.broadcast %add3A_36 : i32 to vector<16xi32>
    %add3A_38 = arith.addi %broadcast_in_dim3A_17, %add3A_37 : vector<16xi32>
    %add3A_39 = arith.constant 6 : i32
    %add3A_40 = vector.broadcast %add3A_39 : i32 to vector<16xi32>
    %add3A_41 = arith.addi %broadcast_in_dim3A_17, %add3A_40 : vector<16xi32>
    %add3A_42 = arith.constant 7 : i32
    %add3A_43 = vector.broadcast %add3A_42 : i32 to vector<16xi32>
    %add3A_44 = arith.addi %broadcast_in_dim3A_17, %add3A_43 : vector<16xi32>
    %add3A_45 = arith.constant 8 : i32
    %add3A_46 = vector.broadcast %add3A_45 : i32 to vector<16xi32>
    %add3A_47 = arith.addi %broadcast_in_dim3A_17, %add3A_46 : vector<16xi32>
    %add3A_48 = arith.constant 9 : i32
    %add3A_49 = vector.broadcast %add3A_48 : i32 to vector<16xi32>
    %add3A_50 = arith.addi %broadcast_in_dim3A_17, %add3A_49 : vector<16xi32>
    %parallel_loop3A = arith.constant 0 : i32
    %parallel_loop3A_51 = arith.constant 32 : i32
    %parallel_loop3A_52 = arith.constant 1 : i32
    scf.for %parallel_loop3A_69 = %parallel_loop3A to %parallel_loop3A_51 step %parallel_loop3A_52  : i32 {
      %parallel_loop3A_70 = arith.constant 16 : i32
      %parallel_loop3A_71 = arith.muli %parallel_loop3A_69, %parallel_loop3A_70 : i32
      %parallel_loop3A_72 = arith.index_cast %parallel_loop3A_71 : i32 to index
      %parallel_loop3A_73 = tpu.vector_load %arg9[%parallel_loop3A_72] {strides = array<i32>} : memref<512xi32, #tpu.memory_space<vmem>>, vector<16xi32>,
      %parallel_loop3A_74 = arith.index_cast %parallel_loop3A_71 : i32 to index
      %parallel_loop3A_75 = tpu.vector_load %arg10[%parallel_loop3A_74] {strides = array<i32>} : memref<512xi32, #tpu.memory_space<vmem>>, vector<16xi32>,
      %parallel_loop3A_76 = vector.broadcast %parallel_loop3A_71 : i32 to vector<16xi32>
      %parallel_loop3A_77 = arith.addi %iota3A, %parallel_loop3A_76 : vector<16xi32>
      %parallel_loop3A_78 = tpu.vector_load_idx %arg11[%broadcast_in_dim3A_17, %parallel_loop3A_77] : memref<2x512xf32, #tpu.memory_space<vmem>>[vector<16xi32>, vector<16xi32>], vector<16xf32>,
      %parallel_loop3A_79 = tpu.vector_load_idx %arg11[%add3A_20, %parallel_loop3A_77] : memref<2x512xf32, #tpu.memory_space<vmem>>[vector<16xi32>, vector<16xi32>], vector<16xf32>,
      %parallel_loop3A_80 = arith.cmpf ogt, %parallel_loop3A_79, %parallel_loop3A_78 : vector<16xf32>
      %parallel_loop3A_81 = arith.constant 100 : i32
      %parallel_loop3A_82 = arith.constant 0 : i32
      %parallel_loop3A_83 = vector.broadcast %parallel_loop3A_81 : i32 to vector<16xi32>
      %parallel_loop3A_84 = vector.broadcast %parallel_loop3A_82 : i32 to vector<16xi32>
      %parallel_loop3A_85 = arith.select %parallel_loop3A_80, %parallel_loop3A_83, %parallel_loop3A_84 : vector<16xi1>, vector<16xi32>
      %parallel_loop3A_86 = arith.constant 10 : i32
      %parallel_loop3A_87 = vector.broadcast %parallel_loop3A_86 : i32 to vector<16xi32>
      %parallel_loop3A_88 = arith.muli %parallel_loop3A_73, %parallel_loop3A_87 : vector<16xi32>
      %parallel_loop3A_89 = arith.addi %parallel_loop3A_85, %parallel_loop3A_88 : vector<16xi32>
      %parallel_loop3A_90 = arith.addi %parallel_loop3A_89, %parallel_loop3A_75 : vector<16xi32>
      %parallel_loop3A_91 = tpu.vector_load_idx %arg12[%add3A_23, %parallel_loop3A_90] : memref<10x200xf32, #tpu.memory_space<vmem>>[vector<16xi32>, vector<16xi32>], vector<16xf32>,
      tpu.vector_store_idx %arg14[%add3A_23, %parallel_loop3A_77], %parallel_loop3A_91 : memref<10x512xf32, #tpu.memory_space<vmem>>[vector<16xi32>, vector<16xi32>], vector<16xf32>,
      %parallel_loop3A_92 = tpu.vector_load_idx %arg12[%add3A_26, %parallel_loop3A_90] : memref<10x200xf32, #tpu.memory_space<vmem>>[vector<16xi32>, vector<16xi32>], vector<16xf32>,
      tpu.vector_store_idx %arg14[%add3A_26, %parallel_loop3A_77], %parallel_loop3A_92 : memref<10x512xf32, #tpu.memory_space<vmem>>[vector<16xi32>, vector<16xi32>], vector<16xf32>,
      %parallel_loop3A_93 = tpu.vector_load_idx %arg12[%add3A_29, %parallel_loop3A_90] : memref<10x200xf32, #tpu.memory_space<vmem>>[vector<16xi32>, vector<16xi32>], vector<16xf32>,
      tpu.vector_store_idx %arg14[%add3A_29, %parallel_loop3A_77], %parallel_loop3A_93 : memref<10x512xf32, #tpu.memory_space<vmem>>[vector<16xi32>, vector<16xi32>], vector<16xf32>,
      %parallel_loop3A_94 = tpu.vector_load_idx %arg12[%add3A_32, %parallel_loop3A_90] : memref<10x200xf32, #tpu.memory_space<vmem>>[vector<16xi32>, vector<16xi32>], vector<16xf32>,
      tpu.vector_store_idx %arg14[%add3A_32, %parallel_loop3A_77], %parallel_loop3A_94 : memref<10x512xf32, #tpu.memory_space<vmem>>[vector<16xi32>, vector<16xi32>], vector<16xf32>,
      %parallel_loop3A_95 = tpu.vector_load_idx %arg12[%add3A_35, %parallel_loop3A_90] : memref<10x200xf32, #tpu.memory_space<vmem>>[vector<16xi32>, vector<16xi32>], vector<16xf32>,
      tpu.vector_store_idx %arg14[%add3A_35, %parallel_loop3A_77], %parallel_loop3A_95 : memref<10x512xf32, #tpu.memory_space<vmem>>[vector<16xi32>, vector<16xi32>], vector<16xf32>,
      %parallel_loop3A_96 = tpu.vector_load_idx %arg12[%add3A_38, %parallel_loop3A_90] : memref<10x200xf32, #tpu.memory_space<vmem>>[vector<16xi32>, vector<16xi32>], vector<16xf32>,
      tpu.vector_store_idx %arg14[%add3A_38, %parallel_loop3A_77], %parallel_loop3A_96 : memref<10x512xf32, #tpu.memory_space<vmem>>[vector<16xi32>, vector<16xi32>], vector<16xf32>,
      %parallel_loop3A_97 = tpu.vector_load_idx %arg12[%add3A_41, %parallel_loop3A_90] : memref<10x200xf32, #tpu.memory_space<vmem>>[vector<16xi32>, vector<16xi32>], vector<16xf32>,
      tpu.vector_store_idx %arg14[%add3A_41, %parallel_loop3A_77], %parallel_loop3A_97 : memref<10x512xf32, #tpu.memory_space<vmem>>[vector<16xi32>, vector<16xi32>], vector<16xf32>,
      %parallel_loop3A_98 = tpu.vector_load_idx %arg12[%add3A_44, %parallel_loop3A_90] : memref<10x200xf32, #tpu.memory_space<vmem>>[vector<16xi32>, vector<16xi32>], vector<16xf32>,
      tpu.vector_store_idx %arg14[%add3A_44, %parallel_loop3A_77], %parallel_loop3A_98 : memref<10x512xf32, #tpu.memory_space<vmem>>[vector<16xi32>, vector<16xi32>], vector<16xf32>,
      %parallel_loop3A_99 = tpu.vector_load_idx %arg12[%add3A_47, %parallel_loop3A_90] : memref<10x200xf32, #tpu.memory_space<vmem>>[vector<16xi32>, vector<16xi32>], vector<16xf32>,
      tpu.vector_store_idx %arg14[%add3A_47, %parallel_loop3A_77], %parallel_loop3A_99 : memref<10x512xf32, #tpu.memory_space<vmem>>[vector<16xi32>, vector<16xi32>], vector<16xf32>,
      %parallel_loop3A_100 = tpu.vector_load_idx %arg12[%add3A_50, %parallel_loop3A_90] : memref<10x200xf32, #tpu.memory_space<vmem>>[vector<16xi32>, vector<16xi32>], vector<16xf32>,
      tpu.vector_store_idx %arg14[%add3A_50, %parallel_loop3A_77], %parallel_loop3A_100 : memref<10x512xf32, #tpu.memory_space<vmem>>[vector<16xi32>, vector<16xi32>], vector<16xf32>,
      %parallel_loop3A_101 = tpu.vector_load_idx %arg13[%add3A_23, %parallel_loop3A_90] : memref<2x200xf32, #tpu.memory_space<vmem>>[vector<16xi32>, vector<16xi32>], vector<16xf32>,
      tpu.vector_store_idx %arg15[%add3A_23, %parallel_loop3A_77], %parallel_loop3A_101 : memref<2x512xf32, #tpu.memory_space<vmem>>[vector<16xi32>, vector<16xi32>], vector<16xf32>,
      %parallel_loop3A_102 = tpu.vector_load_idx %arg13[%add3A_26, %parallel_loop3A_90] : memref<2x200xf32, #tpu.memory_space<vmem>>[vector<16xi32>, vector<16xi32>], vector<16xf32>,
      tpu.vector_store_idx %arg15[%add3A_26, %parallel_loop3A_77], %parallel_loop3A_102 : memref<2x512xf32, #tpu.memory_space<vmem>>[vector<16xi32>, vector<16xi32>], vector<16xf32>,
    } {sc.loop_unroll_factor = 4 : i64, sc.parallel_access}
    %dma_start3A_53 = arith.constant 0 : i32
    %dma_start3A_54 = tpu.memref_slice %arg7[%dma_start3A_53, %mul3A_2] : memref<10x16384xf32, #tpu.memory_space<hbm>> -> memref<10x512xf32, #tpu.memory_space<hbm>>
    %dma_start3A_55 = arith.constant 0 : i32
    %dma_start3A_56 = tpu.memref_slice %arg7[%dma_start3A_55, %mul3A_2] : memref<10x16384xf32, #tpu.memory_space<hbm>> -> memref<10x512xf32, #tpu.memory_space<hbm>>
    tpu.enqueue_dma source(%arg14 : memref<10x512xf32, #tpu.memory_space<vmem>>) target(%dma_start3A_56 : memref<10x512xf32, #tpu.memory_space<hbm>>) target_semaphore(%arg17 : memref<!tpu.dma_semaphore, #tpu.memory_space<semaphore_mem>>)
    %dma_start3A_57 = arith.constant 0 : i32
    %dma_start3A_58 = tpu.memref_slice %arg8[%dma_start3A_57, %mul3A_2] : memref<2x16384xf32, #tpu.memory_space<hbm>> -> memref<2x512xf32, #tpu.memory_space<hbm>>
    %dma_start3A_59 = arith.constant 0 : i32
    %dma_start3A_60 = tpu.memref_slice %arg8[%dma_start3A_59, %mul3A_2] : memref<2x16384xf32, #tpu.memory_space<hbm>> -> memref<2x512xf32, #tpu.memory_space<hbm>>
    tpu.enqueue_dma source(%arg15 : memref<2x512xf32, #tpu.memory_space<vmem>>) target(%dma_start3A_60 : memref<2x512xf32, #tpu.memory_space<hbm>>) target_semaphore(%arg17 : memref<!tpu.dma_semaphore, #tpu.memory_space<semaphore_mem>>)
    %dma_wait3A_61 = arith.constant 0 : i32
    %dma_wait3A_62 = tpu.memref_slice %arg7[%dma_wait3A_61, %mul3A_2] : memref<10x16384xf32, #tpu.memory_space<hbm>> -> memref<10x512xf32, #tpu.memory_space<hbm>>
    %dma_wait3A_63 = arith.constant 0 : i32
    %dma_wait3A_64 = tpu.memref_slice %arg7[%dma_wait3A_63, %mul3A_2] : memref<10x16384xf32, #tpu.memory_space<hbm>> -> memref<10x512xf32, #tpu.memory_space<hbm>>
    tpu.wait_dma2 semaphore(%arg17 : memref<!tpu.dma_semaphore, #tpu.memory_space<semaphore_mem>>) src(%arg14 : memref<10x512xf32, #tpu.memory_space<vmem>>) dst(%dma_wait3A_64 : memref<10x512xf32, #tpu.memory_space<hbm>>)
    %dma_wait3A_65 = arith.constant 0 : i32
    %dma_wait3A_66 = tpu.memref_slice %arg8[%dma_wait3A_65, %mul3A_2] : memref<2x16384xf32, #tpu.memory_space<hbm>> -> memref<2x512xf32, #tpu.memory_space<hbm>>
    %dma_wait3A_67 = arith.constant 0 : i32
    %dma_wait3A_68 = tpu.memref_slice %arg8[%dma_wait3A_67, %mul3A_2] : memref<2x16384xf32, #tpu.memory_space<hbm>> -> memref<2x512xf32, #tpu.memory_space<hbm>>
    tpu.wait_dma2 semaphore(%arg17 : memref<!tpu.dma_semaphore, #tpu.memory_space<semaphore_mem>>) src(%arg15 : memref<2x512xf32, #tpu.memory_space<vmem>>) dst(%dma_wait3A_68 : memref<2x512xf32, #tpu.memory_space<hbm>>)
    return
  }
}

</mosaic_0001>

<sc_bundles>
// kernel: kernel.3.cloned.1.call-start
scs
__scs_entry_jumppad:
0x0: {  	(pc) =	sbr.rel $0x88, $3  }
0x1: {  	(tag) =	ssettag $0x0;
	lr =	simm.s32 $0x1  }
0x2: {  	[smem:$0x3F9C] =	sst lr;
	_ =	strace $0xD0000000  }
0x3: {  	_ = 	snop  }
0x4: {  	_ = 	snop  }
0x5: {  	_ = 	snop  }
0x6: {  	_ = 	snop  }
0x7: {  	_ = 	snop  }
__scs_overlays_trampoline_lowered:
0x8: {  	[smem:$0x3FAB] =	sst s0  }
0x9: {  	[smem:$0x3FAC] =	sst s1  }
0xa: {  	[smem:$0x3FAD] =	sst s2  }
0xb: {  	[smem:$0x3FAE] =	sst s3  }
0xc: {  	[smem:$0x3FAF] =	sst s4  }
0xd: {  	[smem:$0x3FB0] =	sst s5  }
0xe: {  	[smem:$0x3FB1] =	sst s6  }
0xf: {  	[smem:$0x3FB2] =	sst s7  }
0x10: {  	[smem:$0x3FB3] =	sst s8  }
0x11: {  	[smem:$0x3FB4] =	sst s9;
	s0 =	simm.s32 @!p0 $0x0  }
0x12: {  	s1 =	sld [smem:$0x3F9A];
	s0 =	simm.s32 @p0 $0x1  }
0x13: {  	[smem:$0x3FB5] =	sst s0;
	s0 =	simm.s32 @!p1 $0x0  }
0x14: {  	s2 =	sld [smem:$0x3F99];
	s0 =	simm.s32 @p1 $0x1  }
0x15: {  	[smem:$0x3FB6] =	sst s0;
	s0 =	simm.s32 @!p2 $0x0  }
0x16: {  	s3 =	sld [smem:$0x3FDB];
	s0 =	simm.s32 @p2 $0x1  }
0x17: {  	s4 =	simm.s32 $0x1BF5;
	[smem:$0x3FB8] =	sst s0  }
0x18: {  	s0 =	sld [smem:$0x3F9B];
	_ =	swait.ge [sflag:s4], $0x0  }
0x19: {  	s7 =	sld [smem:$0x3F9C]  }
0x1a: {  	s8 =	sadd.s32 $0xFFFFE003, lr  }
0x1b: {  	s9 =	sadd.s32 $0xFFFFFEF7, lr;
	s5 =	simm.s32 $0xFFFFFFFF;
	p2 =	slt.u32 s8, $0xFFFFF086  }
0x1c: {  	p1 =	slt.u32 s9, $0xF7A;
	s5 =	simm.s32 @!p2 $0x0  }
0x1d: {  	s5 =	simm.s32 @p1 $0x1;
	p0 =	seq.s32 s7, s2  }
0x1e: {  	s7 =	smul.u32 @!p0 $0xF7A, s2;
	p2 =	seq.s32 @!p0 s5, $0x0  }
0x1f: {  	s9 =	smul.u32 $0xF7A, s1;
	s8 =	simm.s32 @!p0 $0x1BF5;
	p2 =	por !p2, p0  }
0x20: {  	[sflag:s8] =	ssyncset.s32 @!p0 $0xFFFFF086;
	s6 =	sadd.s32 @!p0 s3, s7;
	s7 =	simm.s32 @!p0 $0x108  }
0x21: {  	s3 =	sadd.s32 s3, s9;
	s6 =	sadd.s32 @!p0 $0x88, s6;
	s7 =	simm.s32 @p2 $0x1082  }
0x22: {  	[simem:s7], [sflag:s8] =	dma.local @!p0 [hbm:s6], $0xF7A  }
0x23: {  	s9 =	sor.u32 $0xD0000000, s2;
	s6 =	simm.s32 $0x108;
	_ =	swait.ge @!p0 [sflag:s8], $0x0  }
0x24: {  	s3 =	sadd.s32 $0x88, s3;
	s6 =	simm.s32 @!p1 $0x1082;
	[sflag:s4] =	ssyncset.s32 $0xFFFFF086  }
0x25: {  	[simem:s6], [sflag:s4] =	dma.local [hbm:s3], $0xF7A  }
0x26: {  	[smem:$0x3F9C] =	sst s1;
	(tag) =	ssettag s2;
	_ =	strace s9  }
0x27: {  	s1 =	sld [smem:$0x3FAC]  }
0x28: {  	s2 =	sld [smem:$0x3FAD]  }
0x29: {  	s4 =	sld [smem:$0x3FAF]  }
0x2a: {  	p0 =	seq.s32 s5, $0x0;
	s5 =	sld [smem:$0x3FB0]  }
0x2b: {  	s6 =	sld [smem:$0x3FB1]  }
0x2c: {  	s7 =	sld [smem:$0x3FB2]  }
0x2d: {  	s3 =	simm.s32 $0x108;
	s8 =	sld [smem:$0x3FB3]  }
0x2e: {  	s3 =	simm.s32 @!p0 $0x1082;
	s9 =	sld [smem:$0x3FB4]  }
0x2f: {  	lr =	sadd.s32 s0, s3;
	s0 =	sld [smem:$0x3FAB]  }
0x30: {  	s3 =	sld [smem:$0x3FAE]  }
0x31: {  	[smem:$0x3FB7] =	sst s10  }
0x32: {  	s10 =	sld [smem:$0x3FB5];
	_ =	sdelay $0x3  }
0x33: {  	p0 =	seq.s32 s10, $0x1;
	s10 =	sld [smem:$0x3FB7];
	_ =	sdelay $0x3  }
0x34: {  	[smem:$0x3FB7] =	sst s10  }
0x35: {  	s10 =	sld [smem:$0x3FB6];
	_ =	sdelay $0x3  }
0x36: {  	p1 =	seq.s32 s10, $0x1;
	s10 =	sld [smem:$0x3FB7];
	_ =	sdelay $0x3  }
0x37: {  	[smem:$0x3FB7] =	sst s10  }
0x38: {  	s10 =	sld [smem:$0x3FB8]  }
0x39: {  	_ = 	snop;
	(pc) =	sbr.ind lr, $3  }
0x3a: {  	_ = 	snop  }
0x3b: {  	_ = 	snop  }
0x3c: {  	p2 =	seq.s32 s10, $0x1;
	s10 =	sld [smem:$0x3FB7]  }
0x3d: {  	_ =	shalt  }
0x3e: {  	_ =	shalt  }
0x3f: {  	_ =	shalt  }
0x40: {  	_ =	shalt  }
0x41: {  	_ =	shalt  }
0x42: {  	_ =	shalt  }
0x43: {  	_ =	shalt  }
0x44: {  	_ =	shalt  }
0x45: {  	_ =	shalt  }
0x46: {  	_ =	shalt  }
0x47: {  	_ =	shalt  }
0x48: {  	_ =	shalt  }
0x49: {  	_ =	shalt  }
0x4a: {  	_ =	shalt  }
0x4b: {  	_ =	shalt  }
0x4c: {  	_ =	shalt  }
0x4d: {  	_ =	shalt  }
0x4e: {  	_ =	shalt  }
0x4f: {  	_ =	shalt  }
0x50: {  	_ =	shalt  }
0x51: {  	_ =	shalt  }
0x52: {  	_ =	shalt  }
0x53: {  	_ =	shalt  }
0x54: {  	_ =	shalt  }
0x55: {  	_ =	shalt  }
0x56: {  	_ =	shalt  }
0x57: {  	_ =	shalt  }
0x58: {  	_ =	shalt  }
0x59: {  	_ =	shalt  }
0x5a: {  	_ =	shalt  }
0x5b: {  	_ =	shalt  }
0x5c: {  	_ =	shalt  }
0x5d: {  	_ =	shalt  }
0x5e: {  	_ =	shalt  }
0x5f: {  	_ =	shalt  }
0x60: {  	_ =	shalt  }
0x61: {  	_ =	shalt  }
0x62: {  	_ =	shalt  }
0x63: {  	_ =	shalt  }
0x64: {  	_ =	shalt  }
0x65: {  	_ =	shalt  }
0x66: {  	_ =	shalt  }
0x67: {  	_ =	shalt  }
0x68: {  	_ =	shalt  }
0x69: {  	_ =	shalt  }
0x6a: {  	_ =	shalt  }
0x6b: {  	_ =	shalt  }
0x6c: {  	_ =	shalt  }
0x6d: {  	_ =	shalt  }
0x6e: {  	_ =	shalt  }
0x6f: {  	_ =	shalt  }
0x70: {  	_ =	shalt  }
0x71: {  	_ =	shalt  }
0x72: {  	_ =	shalt  }
0x73: {  	_ =	shalt  }
0x74: {  	_ =	shalt  }
0x75: {  	_ =	shalt  }
0x76: {  	_ =	shalt  }
0x77: {  	_ =	shalt  }
0x78: {  	_ =	shalt  }
0x79: {  	_ =	shalt  }
0x7a: {  	_ =	shalt  }
0x7b: {  	_ =	shalt  }
0x7c: {  	_ =	shalt  }
0x7d: {  	_ =	shalt  }
0x7e: {  	_ =	shalt  }
0x7f: {  	_ =	shalt  }
0x80: {  	_ =	shalt  }
0x81: {  	_ =	shalt  }
0x82: {  	_ =	shalt  }
0x83: {  	_ =	shalt  }
0x84: {  	_ =	shalt  }
0x85: {  	_ =	shalt  }
0x86: {  	_ =	shalt  }
0x87: {  	_ =	shalt  }
.Lfunc_end0:
.L_simem_size_0:
called_computation_lowered:
.L_overlay_start_0:
0x88: {  	s2 =	sld [smem:$0x3FD9]  }
0x89: {  	s3 =	sld [smem:$0x3FFE];
	_ =	sdelay $0x1  }
0x8a: {  	s1 =	srdreg.scid  }
0x8b: {  	s0 =	sand.u32 $0x1, s1  }
0x8c: {  	s15 =	sshll.u32 s0, $0xA;
	s2 =	sadd.s32 s3, s2  }
0x8d: {  	s2 =	sadd.s32 s2, s15  }
0x8e: {  	[smem:$0x3FC3] =	sst s2  }
0x8f: {  	_ = 	snop  }
0x90: {  	s2 =	sld [smem:$0x3FC9]  }
0x91: {  	s16 =	sld [smem:$0x3FC8]  }
0x92: {  	s4 =	sld [smem:$0x3FD0]  }
0x93: {  	s5 =	sld [smem:$0x3FC7]  }
0x94: {  	s6 =	sld [smem:$0x3FC6]  }
0x95: {  	s8 =	simm.s32 $0xA;
	s9 =	simm.s32 $0x10;
	s7 =	sld [smem:$0x3FC5]  }
0x96: {  	[smem:s9], [sflag:s8] =	dma.local [hbm:s4], $0x1  }
0x97: {  	_ =	swait.eq [sflag:s8], $0x1  }
0x98: {  	[sflag:s8] =	ssyncset.done $0x0  }
0x99: {  	s17 =	sld [smem:$0x10];
	[sflag:s8] =	ssyncadd.s32 $0xFFFFFFFF  }
0x9a: {  	s18 =	sld [smem:$0x11];
	(tm) =	ssettm $0x1  }
0x9b: {  	s19 =	sld [smem:$0x3FFB];
	_ =	sdelay $0x3  }
0x9c: {  	_ =	strace s19  }
0x9d: {  	s9 =	sld [smem:$0x3FFC];
	_ =	sdelay $0x3  }
0x9e: {  	_ =	strace s9  }
0x9f: {  	s9 =	sld [smem:$0x3FFD];
	_ =	sdelay $0x3  }
0xa0: {  	_ =	strace s9  }
0xa1: {  	_ =	strace $0x8FFFFFFF  }
0xa2: {  	s20 =	sld [smem:$0x3FDB];
	_ =	sdelay $0x1  }
0xa3: {  	s10 =	simm.s32 $_scs_section_size  }
0xa4: {  	s11 =	simm.s32 $_size__tile_overlayer_lowered;
	s12 =	simm.s32 $_tile_overlayer_lowered  }
0xa5: {  	s23 =	simm.s32 $0x1BFF;
	s22 =	sshll.u32 s12, $0x1;
	s9 =	sadd.s32 s10, s20  }
0xa6: {  	s13 =	simm.s32 $0x0;
	s21 =	sshll.u32 s11, $0x1;
	s11 =	sadd.s32 s22, s9  }
0xa7: {  	[timem:s13], [sflag:s23] =	dma.local [hbm:s11], s21  }
0xa8: {  	_ =	swait.ge [sflag:s23], s21  }
0xa9: {  	s10 =	ssub.s32 $0x0, s21;
	[sflag:s23] =	ssyncset.done $0x0  }
0xaa: {  	[sflag:s23] =	ssyncadd.s32 s10;
	_ =	sdelay $0x1  }
0xab: {  	s24 =	simm.s32 $0x1B8B  }
0xac: {  	_ =	swait.ge [sflag:s24], $0x1  }
0xad: {  	[sflag:s24] =	ssyncset.done $0x0  }
0xae: {  	s25 =	simm.s32 $0x1B8E;
	[sflag:s24] =	ssyncadd.s32 $0xFFFFFFFF  }
0xaf: {  	s26 =	simm.s32 $execute0_lowered;
	[smem:$0x3FD2] =	sst s25  }
0xb0: {  	s10 =	sshll.u32 s26, $0x1;
	_ =	strace $0x80000046;
	[dreg:$0x1] =	wrdreg $0xFFFFFFFF  }
0xb1: {  	s28 =	simm.s32 $_size_execute0_lowered;
	s9 =	sadd.s32 s9, s10;
	[dreg:$0x0] =	wrdreg $0x0  }
0xb2: {  	s10 =	sshll.u32 s28, $0x1;
	[dreg:$0x2] =	wrdreg s9  }
0xb3: {  	[dreg:$0x3] =	wrdreg s10  }
0xb4: {  	[dreg:$0x4] =	wrdreg $0xC0  }
0xb5: {  	_ =	task [dreg:s13], $0x5FFFF  }
0xb6: {  	[dreg:$0x1] =	wrdreg $0xFFFFFFFF  }
0xb7: {  	[dreg:$0x0] =	wrdreg $0x60  }
0xb8: {  	[dreg:$0x2] =	wrdreg s2  }
0xb9: {  	[dreg:$0x3] =	wrdreg s16  }
0xba: {  	[dreg:$0x4] =	wrdreg s5  }
0xbb: {  	[dreg:$0x5] =	wrdreg s7  }
0xbc: {  	[dreg:$0x6] =	wrdreg s6  }
0xbd: {  	[dreg:$0x7] =	wrdreg s17  }
0xbe: {  	[dreg:$0x8] =	wrdreg s18  }
0xbf: {  	[dreg:$0x9] =	wrdreg $0x9  }
0xc0: {  	_ =	task.clear_ibuf [dreg:s13], $0xAFFFF;
	_ =	strace $0x90000046  }
0xc1: {  	s29 =	simm.s32 $0x9;
	_ =	strace $0x80000048  }
0xc2: {  	_ =	swait.ge [sflag:s29], $0x1  }
0xc3: {  	[sflag:s29] =	ssyncadd.s32 $0xFFFFFFFF  }
0xc4: {  	_ =	strace $0x90000048  }
0xc5: {  	_ =	sfence  }
0xc6: {  	s30 =	sld [smem:$0x0];
	_ =	sdelay $0x2  }
0xc7: {  	s31 =	sshll.u32 s1, $0xD;
	s1 =	sshrl.u32 s1, $0x2  }
0xc8: {  	s3 =	sand.u32 $0x4000, s31;
	s1 =	sadd.s32 s1, s30  }
0xc9: {  	s0 =	sor.u32 s3, s0;
	s1 =	sshll.u32 s1, $0x11  }
0xca: {  	s0 =	sor.u32 s1, s0  }
0xcb: {  	s0 =	sadd.s32 $0x8F2B, s0  }
0xcc: {  	[sflag:s0] =	ssyncadd.remote.s32 $0x1  }
0xcd: {  	_ =	sfence.sel $0xFFFF  }
0xce: {  	[dreg:$0x0] =	wrdreg $0xFFFFFFFF;
	(pc) =	sbr.abs _section_cstart, $3  }
0xcf: {  	[dreg:$0x1] =	wrdreg $0xFFFFFFFF  }
0xd0: {  	_ =	task.clear_ibuf [dreg:s13], $0x2FFFF;
	_ =	strace $0x9FFFFFFF  }
0xd1: {  	(tm) =	ssettm $0x7FFFFFFF  }
tec
execute0_lowered:
.L_overlay_start_1:
0x0: {  	(tag) =	ssettag $0x1  }
0x1: {  	s5 =	rddreg [dreg:$0x0]  }
0x2: {  	s6 =	rddreg [dreg:$0x1]  }
0x3: {  	s7 =	rddreg [dreg:$0x2]  }
0x4: {  	s1 =	rddreg [dreg:$0x3]  }
0x5: {  	s2 =	rddreg [dreg:$0x4]  }
0x6: {  	s8 =	rddreg [dreg:$0x5]  }
0x7: {  	s9 =	rddreg [dreg:$0x6]  }
0x8: {  	s0 =	rddreg [dreg:$0x7];
	s10 =	srdreg.scid  }
0x9: {  	s4 =	simm.s32 $0x0;
	s3 =	stileid.u32;
	s14 =	simm.s32 $0x1800  }
0xa: {  	s15 =	simm.s32 $0x1;
	s16 =	simm.s32 $0x1A00;
	s17 =	simm.s32 $0x3A00  }
0xb: {  	s18 =	simm.s32 $0x1000;
	s19 =	simm.s32 $0x20000;
	s20 =	simm.s32 $0x2  }
0xc: {  	s21 =	simm.s32 $0x0;
	s10 =	sand.u32 $0x1, s10;
	s12 =	sshll.u32 s3, $0xA  }
0xd: {  	[smem:$0x7FF] =	sst s4;
	s11 =	ssub.s32 $0x2, s10;
	s10 =	sshll.u32 s10, $0x9  }
0xe: {  	_ =	strace $0x80000047;
	s13 =	sshrl.u32 s11, $0x1;
	s10 =	sor.u32 s10, s12  }
0xf: {  	s11 =	ssub.s32 s11, s13;
	s12 =	sshrl.u32 s10, $0x3;
	s31 =	sshrl.u32 s10, $0x2  }
0x10: {  	s8 =	sadd.s32 s8, s10;
	s13 =	simm.s32 $0x800;
	s5 =	sadd.s32 s5, s12  }
0x11: {  	s6 =	sadd.s32 s6, s12;
	s7 =	sadd.s32 s7, s31;
	s9 =	sadd.s32 s9, s31  }
0x12: {  	v0 =	vlaneseq.u32;
	v1 =	vimm.s32 $0x0;
	s10 =	smax.u32 s11, $0x1;
	s11 =	simm.s32 $0x200;
	s12 =	simm.s32 $0x400  }
.LBB2_1:
0x13: {  	[tilespmem:s4], [sflag:$0x1] =	stream.linear.gather [hbm4b:s5+s4], $0x200, $0x38;
	[tilespmem:$0x3E00] =	vst v63  }
0x14: {  	_ = 	snop  }
0x15: {  	[tilespmem:s11], [sflag:$0x1] =	stream.linear.gather [hbm4b:s6+s4], $0x200, $0x38;
	[tilespmem:$0x3E00] =	vst v63  }
0x16: {  	_ = 	snop  }
0x17: {  	[tilespmem:s12], [sflag:$0x1] =	stream.linear.gather [hbm4b:s7+s4], $0x400, $0x38;
	[tilespmem:$0x3E00] =	vst v63  }
0x18: {  	_ = 	snop  }
0x19: {  	[tilespmem:s13], [sflag:$0x1] =	stream.linear.gather [hbm4b:s1+s4], $0x1000, $0x38;
	[tilespmem:$0x3E00] =	vst v63  }
0x1a: {  	_ = 	snop  }
0x1b: {  	[tilespmem:s14], [sflag:$0x1] =	stream.linear.gather [hbm4b:s2+s4], $0x200, $0x38;
	[tilespmem:$0x3E00] =	vst v63  }
0x1c: {  	_ =	swait.ge [sflag:s15], $0x200  }
0x1d: {  	[sflag:s15] =	ssyncset.done $0x0  }
0x1e: {  	[sflag:s15] =	ssyncadd.s32 $0xFFFFFE00  }
0x1f: {  	_ =	swait.ge [sflag:s15], $0x200  }
0x20: {  	[sflag:s15] =	ssyncset.done $0x0  }
0x21: {  	[sflag:s15] =	ssyncadd.s32 $0xFFFFFE00  }
0x22: {  	_ =	swait.ge [sflag:s15], $0x400  }
0x23: {  	[sflag:s15] =	ssyncset.done $0x0  }
0x24: {  	[sflag:s15] =	ssyncadd.s32 $0xFFFFFC00  }
0x25: {  	_ =	swait.ge [sflag:s15], $0x1000  }
0x26: {  	[sflag:s15] =	ssyncset.done $0x0  }
0x27: {  	s22 =	simm.s32 $0x30;
	[sflag:s15] =	ssyncadd.s32 $0xFFFFF000  }
0x28: {  	v2 =	vmov s22;
	_ =	swait.ge [sflag:s15], $0x200  }
0x29: {  	v3 =	vor.u32 s22, v0;
	v11 =	vshrl.u32 v2, $0x7;
	[sflag:s15] =	ssyncset.done $0x0  }
0x2a: {  	s31 =	simm.s32 $0x220;
	s23 =	simm.s32 $0x10;
	v14 =	vand.u32 $0x7F, v3;
	v2 =	vshll.u32 v11, $0x8;
	[sflag:s15] =	ssyncadd.s32 $0xFFFFFE00  }
0x2b: {  	s24 =	simm.s32 $0x20;
	v53 =	vmov s23;
	v5 =	vor.u32 v14, v2;
	v9 =	vld [tilespmem:s31+$0x10]  }
0x2c: {  	s25 =	simm.s32 $0x20;
	v54 =	vor.u32 s23, v0;
	v55 =	vmov s24;
	v15 =	vshrl.u32 v53, $0x7;
	v10 =	vld [tilespmem:s31+$0x0]  }
0x2d: {  	v16 =	vand.u32 $0x5F, v54;
	v4 =	vshll.u32 v15, $0x8;
	v56 =	vor.u32 $0x80, v5;
	v6 =	vld [tilespmem:s25+$0xFFFFFFF0]  }
0x2e: {  	v7 =	vor.u32 s24, v0;
	v17 =	vshrl.u32 v55, $0x7;
	v8 =	vor.u32 v16, v4;
	v57 =	vld [tilespmem:s25+$0x10]  }
0x2f: {  	v18 =	vand.u32 $0x6F, v7;
	v7 =	vshll.u32 v17, $0x8;
	v58 =	vor.u32 $0x80, v8;
	v12 =	vld [tilespmem:s31+$0xFFFFFFF0];
	[tilespmem:$0x1FF80] =	vst v5  }
0x30: {  	v13 =	vor.u32 v18, v7;
	v19 =	vld.idx.msk [tilespmem:v5+s12+$0x0], $0xffff  }
0x31: {  	v59 =	vor.u32 $0x80, v13;
	v20 =	vld [tilespmem:s25+$0x0];
	[tilespmem:$0x1FF90] =	vst v56  }
0x32: {  	v21 =	vld.idx.msk [tilespmem:v56+s12+$0x0], $0xffff;
	[tilespmem:$0x1FFA0] =	vst v8  }
0x33: {  	v22 =	vld.idx.msk [tilespmem:v8+s12+$0x0], $0xffff;
	[tilespmem:$0x1FFB0] =	vst v58  }
0x34: {  	v23 =	vld.idx.msk [tilespmem:v58+s12+$0x0], $0xffff  }
0x35: {  	v26 =	vld.idx.msk [tilespmem:v13+s12+$0x0], $0xffff;
	[tilespmem:$0x1FFC0] =	vst v59  }
0x36: {  	v24 =	vmov s4;
	v25 =	vor.u32 s4, v0;
	v27 =	vld.idx.msk [tilespmem:v59+s12+$0x0], $0xffff  }
0x37: {  	v24 =	vshrl.u32 v24, $0x7;
	v29 =	vmul.u32 $0xA, v6;
	v30 =	vmul.u32 $0xA, v57  }
0x38: {  	v25 =	vand.u32 $0x4F, v25;
	v28 =	vshll.u32 v24, $0x8;
	v20 =	vmul.u32 $0xA, v20  }
0x39: {  	v60 =	vor.u32 v25, v28;
	v12 =	vadd.s32 v29, v12;
	v9 =	vadd.s32 v30, v9  }
0x3a: {  	vm0 =	vgt.f32 v21, v19;
	v10 =	vadd.s32 v20, v10;
	vm1 =	vgt.f32 v23, v22  }
0x3b: {  	v19 =	vsel vm0, $0x64, v1;
	v20 =	vsel vm1, $0x64, v1;
	vm10 =	vgt.f32 v27, v26  }
0x3c: {  	v19 =	vadd.s32 v19, v9;
	v12 =	vadd.s32 v20, v12;
	v20 =	vsel vm10, $0x64, v1  }
0x3d: {  	v62 =	vshrl.u32 v19, $0x7;
	v6 =	vshrl.u32 v12, $0x7;
	v10 =	vadd.s32 v20, v10  }
0x3e: {  	v5 =	vand.u32 $0x7F, v12;
	v12 =	vshll.u32 v6, $0xA;
	v8 =	vshrl.u32 v10, $0x7  }
0x3f: {  	v7 =	vand.u32 $0x7F, v10;
	v42 =	vor.u32 v5, v12;
	v12 =	vshll.u32 v8, $0xA  }
0x40: {  	v63 =	vand.u32 $0x7F, v19;
	v21 =	vshll.u32 v62, $0xA;
	v45 =	vor.u32 v7, v12  }
0x41: {  	v20 =	vld [tilespmem:s25+$0xFFFFFFE0];
	[tilespmem:$0x1FFD0] =	vst v62;
	v12 =	vor.u32 v63, v21  }
0x42: {  	v61 =	vor.u32 $0x80, v60;
	v19 =	vld [tilespmem:s31+$0xFFFFFFE0];
	[tilespmem:$0x1FFE0] =	vst v60  }
0x43: {  	v15 =	vshll.u32 v15, $0xA;
	v21 =	vld.idx.msk [tilespmem:v60+s12+$0x0], $0xffff;
	[tilespmem:$0x1FFF0] =	vst v61  }
0x44: {  	v38 =	vor.u32 v16, v15;
	v15 =	vshll.u32 v17, $0xA;
	v16 =	vld.idx.msk [tilespmem:v42+s13+$0x0], $0xffff  }
0x45: {  	v11 =	vshll.u32 v11, $0xA;
	v43 =	vor.u32 v18, v15;
	v15 =	vor.u32 $0x80, v42;
	v17 =	vld.idx.msk [tilespmem:v45+s13+$0x0], $0xffff  }
0x46: {  	v11 =	vor.u32 v14, v11;
	v18 =	vor.u32 $0x80, v45;
	v14 =	vld.idx.msk [tilespmem:v12+s13+$0x0], $0xffff  }
0x47: {  	v22 =	vld.idx.msk [tilespmem:v61+s12+$0x0], $0xffff  }
0x48: {  	v23 =	vor.u32 $0x80, v12;
	v20 =	vmul.u32 $0xA, v20  }
0x49: {  	[tilespmem:v38+s16+$0x0] =	vst.idx.msk $0xffff, v16  }
0x4a: {  	v16 =	vadd.s32 v20, v19;
	v19 =	vor.u32 $0x80, v38;
	v15 =	vld.idx.msk [tilespmem:v15+s13+$0x0], $0xffff;
	[tilespmem:v43+s16+$0x0] =	vst.idx.msk $0xffff, v17  }
0x4b: {  	[tilespmem:v11+s16+$0x0] =	vst.idx.msk $0xffff, v14;
	v14 =	vor.u32 $0x100, v42;
	v17 =	vld.idx.msk [tilespmem:v18+s13+$0x0], $0xffff;
	v18 =	vor.u32 $0x80, v43  }
0x4c: {  	vm11 =	vgt.f32 v22, v21;
	v22 =	vor.u32 $0x100, v45  }
0x4d: {  	v20 =	vsel vm11, $0x64, v1;
	v21 =	vld.idx.msk [tilespmem:v23+s13+$0x0], $0xffff;
	v23 =	vor.u32 $0x80, v11  }
0x4e: {  	s26 =	simm.s32 $0x260;
	v16 =	vadd.s32 v20, v16  }
0x4f: {  	v26 =	vor.u32 $0x100, v12;
	v30 =	vld [tilespmem:s26+$0x0];
	v44 =	vshrl.u32 v16, $0x7;
	[tilespmem:v19+s16+$0x0] =	vst.idx.msk $0xffff, v15  }
0x50: {  	v41 =	vand.u32 $0x7F, v16;
	v16 =	vshll.u32 v44, $0xA;
	v15 =	vor.u32 $0x100, v38;
	v14 =	vld.idx.msk [tilespmem:v14+s13+$0x0], $0xffff;
	[tilespmem:v18+s16+$0x0] =	vst.idx.msk $0xffff, v17  }
0x51: {  	s22 =	simm.s32 $0x60;
	v20 =	vor.u32 v41, v16;
	v17 =	vor.u32 $0x180, v42;
	v18 =	vor.u32 $0x100, v43;
	v16 =	vld.idx.msk [tilespmem:v22+s13+$0x0], $0xffff  }
0x52: {  	v33 =	vld [tilespmem:s22+$0xFFFFFFF0];
	[tilespmem:v23+s16+$0x0] =	vst.idx.msk $0xffff, v21;
	v21 =	vor.u32 $0x180, v45  }
0x53: {  	v37 =	vld [tilespmem:s26+$0xFFFFFFE0]  }
0x54: {  	v19 =	vld.idx.msk [tilespmem:v26+s13+$0x0], $0xffff;
	v22 =	vor.u32 $0x100, v11  }
0x55: {  	v52 =	vld [tilespmem:s22+$0x10];
	v23 =	vor.u32 $0x180, v12;
	[tilespmem:v15+s16+$0x0] =	vst.idx.msk $0xffff, v14  }
0x56: {  	v15 =	vld.idx.msk [tilespmem:v17+s13+$0x0], $0xffff;
	[tilespmem:v18+s16+$0x0] =	vst.idx.msk $0xffff, v16;
	v18 =	vor.u32 $0x180, v38  }
0x57: {  	v36 =	vor.u32 $0x200, v38;
	v16 =	vor.u32 $0x180, v43;
	v17 =	vshll.u32 v24, $0xA;
	v14 =	vld.idx.msk [tilespmem:v21+s13+$0x0], $0xffff  }
0x58: {  	s28 =	simm.s32 $0x70;
	v51 =	vor.u32 $0x200, v43;
	v54 =	vld [tilespmem:s26+$0xFFFFFFF0];
	v21 =	vor.u32 v25, v17;
	v17 =	vor.u32 $0x200, v42  }
0x59: {  	v58 =	vor.u32 $0x280, v42;
	v27 =	vor.u32 $0x300, v42;
	v32 =	vld.idx.msk [tilespmem:v20+s13+$0x0], $0xffff;
	[tilespmem:v22+s16+$0x0] =	vst.idx.msk $0xffff, v19;
	v22 =	vmov s28  }
0x5a: {  	v19 =	vor.u32 $0x200, v45;
	v40 =	vld.idx.msk [tilespmem:v23+s13+$0x0], $0xffff;
	v23 =	vor.u32 s28, v0;
	v34 =	vshrl.u32 v22, $0x7  }
0x5b: {  	s29 =	simm.s32 $0x50;
	v59 =	vld [tilespmem:s22+$0x0];
	v29 =	vor.u32 $0x80, v20;
	v35 =	vand.u32 $0x7F, v23;
	v22 =	vshll.u32 v34, $0x8;
	[tilespmem:v18+s16+$0x0] =	vst.idx.msk $0xffff, v15  }
0x5c: {  	v46 =	vor.u32 $0x280, v45;
	v26 =	vld [tilespmem:s22+$0xFFFFFFE0];
	v23 =	vmov s29;
	[tilespmem:v16+s16+$0x0] =	vst.idx.msk $0xffff, v14;
	v14 =	vor.u32 v35, v22  }
0x5d: {  	v47 =	vshrl.u32 v23, $0x7;
	v16 =	vor.u32 s29, v0;
	v50 =	vld.idx.msk [tilespmem:v17+s13+$0x0], $0xffff;
	v15 =	vor.u32 $0x80, v14  }
0x5e: {  	s30 =	simm.s32 $0x60;
	v33 =	vmul.u32 $0xA, v33;
	v25 =	vld [tilespmem:s26+$0x10];
	v49 =	vand.u32 $0x5F, v16;
	v16 =	vshll.u32 v47, $0x8  }
0x5f: {  	v62 =	vor.u32 $0x100, v20;
	v18 =	vor.u32 s30, v0;
	[tilespmem:v21+s16+$0x0] =	vst.idx.msk $0xffff, v32;
	v48 =	vld.idx.msk [tilespmem:v19+s13+$0x0], $0xffff;
	v16 =	vor.u32 v49, v16  }
0x60: {  	s31 =	simm.s32 $0x40;
	v39 =	vor.u32 $0x80, v21;
	v17 =	vmov s30;
	v55 =	vand.u32 $0x6F, v18;
	v32 =	vld.idx.msk [tilespmem:v29+s13+$0x0], $0xffff  }
0x61: {  	v53 =	vshrl.u32 v17, $0x7;
	v19 =	vmov s31;
	v17 =	vor.u32 $0x80, v16;
	v56 =	vld.idx.msk [tilespmem:v14+s12+$0x0], $0xffff  }
0x62: {  	v22 =	vor.u32 s31, v0;
	v18 =	vshll.u32 v53, $0x8;
	v57 =	vshrl.u32 v19, $0x7;
	[tilespmem:v36+s16+$0x0] =	vst.idx.msk $0xffff, v50;
	v61 =	vld.idx.msk [tilespmem:v15+s12+$0x0], $0xffff  }
0x63: {  	v10 =	vmovc v63;
	v60 =	vand.u32 $0x4F, v22;
	v23 =	vor.u32 v55, v18;
	v18 =	vshll.u32 v57, $0x8;
	v0 =	vld.idx.msk [tilespmem:v58+s13+$0x0], $0xffff  }
0x64: {  	v3 =	vmul.u32 $0xA, v52;
	v2 =	vmul.u32 $0xA, v59;
	v22 =	vor.u32 v60, v18;
	[tilespmem:v51+s16+$0x0] =	vst.idx.msk $0xffff, v48;
	v63 =	vld.idx.msk [tilespmem:v16+s12+$0x0], $0xffff  }
0x65: {  	v33 =	vadd.s32 v33, v54;
	v54 =	vor.u32 $0x180, v11;
	v18 =	vor.u32 $0x80, v22;
	v36 =	vld.idx.msk [tilespmem:v46+s13+$0x0], $0xffff  }
0x66: {  	v26 =	vmul.u32 $0xA, v26;
	v19 =	vor.u32 $0x80, v23;
	[tilespmem:v39+s16+$0x0] =	vst.idx.msk $0xffff, v32;
	v46 =	vor.u32 $0x280, v43;
	v4 =	vld.idx.msk [tilespmem:v17+s12+$0x0], $0xffff  }
0x67: {  	v31 =	vadd.s32 v2, v30;
	v30 =	vor.u32 $0x300, v38;
	v50 =	vor.u32 $0x280, v38;
	v39 =	vld.idx.msk [tilespmem:v62+s13+$0x0], $0xffff  }
0x68: {  	v2 =	vor.u32 $0x380, v45;
	v26 =	vadd.s32 v26, v37;
	v25 =	vadd.s32 v3, v25;
	v59 =	vld.idx.msk [tilespmem:v23+s12+$0x0], $0xffff  }
0x69: {  	v3 =	vor.u32 $0x300, v45;
	v48 =	vor.u32 $0x200, v12;
	v51 =	vor.u32 $0x380, v43;
	v28 =	vld.idx.msk [tilespmem:v22+s12+$0x0], $0xffff  }
0x6a: {  	v62 =	vor.u32 $0x180, v20;
	vm12 =	vgt.f32 v61, v56;
	v56 =	vld.idx.msk [tilespmem:v18+s12+$0x0], $0xffff;
	v61 =	vor.u32 $0x100, v21  }
0x6b: {  	v24 =	vsel vm12, $0x64, v1;
	[tilespmem:v46+s16+$0x0] =	vst.idx.msk $0xffff, v36;
	v46 =	vor.u32 $0x380, v42;
	vm13 =	vgt.f32 v4, v63;
	v4 =	vld.idx.msk [tilespmem:v19+s12+$0x0], $0xffff  }
0x6c: {  	[tilespmem:v50+s16+$0x0] =	vst.idx.msk $0xffff, v0;
	v63 =	vor.u32 $0x200, v11;
	v24 =	vadd.s32 v24, v25;
	v25 =	vsel vm13, $0x64, v1  }
0x6d: {  	v27 =	vld.idx.msk [tilespmem:v27+s13+$0x0], $0xffff;
	v29 =	vshrl.u32 v24, $0x7;
	v32 =	vand.u32 $0x7F, v24;
	v25 =	vadd.s32 v25, v33  }
0x6e: {  	v0 =	vld.idx.msk [tilespmem:v3+s13+$0x0], $0xffff;
	v33 =	vor.u32 $0x300, v43;
	v3 =	vshll.u32 v29, $0xA;
	v58 =	vshrl.u32 v25, $0x7  }
0x6f: {  	[tilespmem:v54+s16+$0x0] =	vst.idx.msk $0xffff, v40;
	v54 =	vand.u32 $0x7F, v25;
	vm14 =	vgt.f32 v56, v28;
	v36 =	vor.u32 v32, v3  }
0x70: {  	v28 =	vld.idx.msk [tilespmem:v48+s13+$0x0], $0xffff;
	v25 =	vshll.u32 v58, $0xA;
	v56 =	vsel vm14, $0x64, v1;
	vm15 =	vgt.f32 v4, v59  }
0x71: {  	v4 =	vor.u32 $0x280, v12;
	v25 =	vor.u32 v54, v25;
	v26 =	vadd.s32 v56, v26  }
0x72: {  	[tilespmem:v30+s16+$0x0] =	vst.idx.msk $0xffff, v27;
	v56 =	vadd.s32 $0x800, v45;
	v59 =	vsel vm15, $0x64, v1;
	v50 =	vshrl.u32 v26, $0x7  }
0x73: {  	v46 =	vld.idx.msk [tilespmem:v46+s13+$0x0], $0xffff;
	v52 =	vand.u32 $0x7F, v26;
	v31 =	vadd.s32 v59, v31;
	[tilespmem:v33+s16+$0x0] =	vst.idx.msk $0xffff, v0;
	v26 =	vshll.u32 v50, $0xA  }
0x74: {  	[tilespmem:v61+s16+$0x0] =	vst.idx.msk $0xffff, v39;
	v24 =	vshrl.u32 v31, $0x7;
	v30 =	vld.idx.msk [tilespmem:v2+s13+$0x0], $0xffff;
	v37 =	vor.u32 v52, v26;
	v26 =	vand.u32 $0x7F, v31  }
0x75: {  	v1 =	vld.idx.msk [tilespmem:v62+s13+$0x0], $0xffff;
	[tilespmem:v63+s16+$0x0] =	vst.idx.msk $0xffff, v28;
	v28 =	vshll.u32 v47, $0xA;
	v47 =	vor.u32 $0x380, v38;
	v27 =	vshll.u32 v24, $0xA  }
0x76: {  	v3 =	vor.u32 $0x80, v36;
	v28 =	vor.u32 v49, v28;
	v33 =	vor.u32 v26, v27;
	v49 =	vld.idx.msk [tilespmem:v25+s13+$0x0], $0xffff  }
0x77: {  	v0 =	vor.u32 $0x80, v25;
	v40 =	vld.idx.msk [tilespmem:v4+s13+$0x0], $0xffff;
	v27 =	vshll.u32 v34, $0xA;
	v34 =	vor.u32 $0x280, v11  }
0x78: {  	v59 =	vld.idx.msk [tilespmem:v36+s13+$0x0], $0xffff;
	v2 =	vor.u32 $0x300, v12;
	v31 =	vshll.u32 v53, $0xA;
	v4 =	vor.u32 $0x180, v21  }
0x79: {  	v63 =	vor.u32 $0x200, v20;
	v27 =	vor.u32 v35, v27;
	[tilespmem:v51+s16+$0x0] =	vst.idx.msk $0xffff, v30;
	v51 =	vld.idx.msk [tilespmem:v37+s13+$0x0], $0xffff;
	v30 =	vshll.u32 v57, $0xA  }
0x7a: {  	v31 =	vor.u32 v55, v31;
	[tilespmem:v47+s16+$0x0] =	vst.idx.msk $0xffff, v46;
	v30 =	vor.u32 v60, v30;
	v55 =	vld.idx.msk [tilespmem:v56+s13+$0x0], $0xffff  }
0x7b: {  	v62 =	vld.idx.msk [tilespmem:v33+s13+$0x0], $0xffff;
	[tilespmem:v28+s16+$0x0] =	vst.idx.msk $0xffff, v49;
	v49 =	vadd.s32 $0x800, v42  }
0x7c: {  	v39 =	vor.u32 $0x80, v33;
	[tilespmem:v34+s16+$0x0] =	vst.idx.msk $0xffff, v40;
	v40 =	vor.u32 $0x1000, v43;
	v34 =	vld.idx.msk [tilespmem:v0+s13+$0x0], $0xffff  }
0x7d: {  	v57 =	vor.u32 $0x300, v11;
	v56 =	vor.u32 $0x80, v37;
	[tilespmem:v4+s16+$0x0] =	vst.idx.msk $0xffff, v1;
	v48 =	vld.idx.msk [tilespmem:v2+s13+$0x0], $0xffff  }
0x7e: {  	v1 =	vor.u32 $0x80, v28;
	[tilespmem:v27+s16+$0x0] =	vst.idx.msk $0xffff, v59;
	v0 =	vadd.s32 $0x880, v45;
	v47 =	vld.idx.msk [tilespmem:v63+s13+$0x0], $0xffff  }
0x7f: {  	v2 =	vor.u32 $0x380, v12;
	v53 =	vld.idx.msk [tilespmem:v3+s13+$0x0], $0xffff;
	v3 =	vor.u32 $0x200, v21;
	[tilespmem:v30+s16+$0x0] =	vst.idx.msk $0xffff, v51  }
0x80: {  	v61 =	vor.u32 $0x1000, v38;
	v4 =	vor.u32 $0x100, v25;
	[tilespmem:v31+s16+$0x0] =	vst.idx.msk $0xffff, v62;
	v49 =	vld.idx.msk [tilespmem:v49+s13+$0x0], $0xffff  }
0x81: {  	v63 =	vor.u32 $0x80, v31;
	[tilespmem:v40+s16+$0x0] =	vst.idx.msk $0xffff, v55;
	v62 =	vor.u32 $0x280, v20;
	v39 =	vld.idx.msk [tilespmem:v39+s13+$0x0], $0xffff  }
0x82: {  	v42 =	vadd.s32 $0x880, v42;
	[tilespmem:v57+s16+$0x0] =	vst.idx.msk $0xffff, v48;
	v48 =	vld.idx.msk [tilespmem:v56+s13+$0x0], $0xffff;
	v56 =	vor.u32 $0x80, v27  }
0x83: {  	v45 =	vor.u32 $0x100, v33;
	[tilespmem:v1+s16+$0x0] =	vst.idx.msk $0xffff, v34;
	v34 =	vor.u32 $0x80, v30;
	v57 =	vld.idx.msk [tilespmem:v0+s13+$0x0], $0xffff  }
0x84: {  	v43 =	vor.u32 $0x1080, v43;
	v0 =	vor.u32 $0x100, v36;
	[tilespmem:v3+s16+$0x0] =	vst.idx.msk $0xffff, v47;
	v47 =	vld.idx.msk [tilespmem:v2+s13+$0x0], $0xffff  }
0x85: {  	v1 =	vor.u32 $0x100, v37;
	v51 =	vld.idx.msk [tilespmem:v4+s13+$0x0], $0xffff;
	v2 =	vshll.u32 v8, $0x8;
	v3 =	vor.u32 $0x380, v11;
	[tilespmem:v61+s16+$0x0] =	vst.idx.msk $0xffff, v49  }
0x86: {  	v4 =	vor.u32 $0x280, v21;
	v55 =	vor.u32 v7, v2;
	[tilespmem:v63+s16+$0x0] =	vst.idx.msk $0xffff, v39;
	v39 =	vld.idx.msk [tilespmem:v62+s13+$0x0], $0xffff  }
0x87: {  	v9 =	vimm.s32 $0x0;
	[tilespmem:v56+s16+$0x0] =	vst.idx.msk $0xffff, v53;
	v61 =	vld.idx.msk [tilespmem:v42+s13+$0x0], $0xffff;
	v42 =	vadd.s32 $0x800, v12  }
0x88: {  	v63 =	vshll.u32 v6, $0x8;
	[tilespmem:v34+s16+$0x0] =	vst.idx.msk $0xffff, v48;
	v53 =	vor.u32 $0x100, v28;
	v56 =	vor.u32 $0x300, v20;
	v45 =	vld.idx.msk [tilespmem:v45+s13+$0x0], $0xffff  }
0x89: {  	[tilespmem:v43+s16+$0x0] =	vst.idx.msk $0xffff, v57;
	v57 =	vor.u32 $0x180, v25;
	v62 =	vor.u32 $0x100, v31;
	v35 =	vor.u32 v5, v63;
	v63 =	vld.idx.msk [tilespmem:v0+s13+$0x0], $0xffff  }
0x8a: {  	v8 =	vlaneseq.u32;
	v2 =	vor.u32 $0x100, v27;
	v40 =	vld.idx.msk [tilespmem:v1+s13+$0x0], $0xffff;
	[tilespmem:v3+s16+$0x0] =	vst.idx.msk $0xffff, v47;
	v1 =	vor.u32 $0x180, v33  }
0x8b: {  	v0 =	vshll.u32 v44, $0x8;
	v5 =	vor.u32 $0x1080, v38;
	v48 =	vld.idx.msk [tilespmem:v55+s14+$0x0], $0xffff;
	[tilespmem:v4+s16+$0x0] =	vst.idx.msk $0xffff, v39;
	v4 =	vor.u32 $0x180, v36  }
0x8c: {  	v49 =	vor.u32 $0x300, v21;
	v3 =	vshll.u32 v58, $0x8;
	v34 =	vor.u32 v41, v0;
	v43 =	vld.idx.msk [tilespmem:v42+s13+$0x0], $0xffff  }
0x8d: {  	v44 =	vor.u32 $0x1000, v11;
	v39 =	vor.u32 v54, v3;
	v54 =	vshll.u32 v50, $0x8;
	[tilespmem:v53+s16+$0x0] =	vst.idx.msk $0xffff, v51;
	v46 =	vld.idx.msk [tilespmem:v56+s13+$0x0], $0xffff  }
0x8e: {  	v47 =	vadd.s32 $0x800, v20;
	v41 =	vor.u32 $0x80, v55;
	v38 =	vor.u32 v52, v54;
	v54 =	vld.idx.msk [tilespmem:v57+s13+$0x0], $0xffff;
	[tilespmem:v62+s16+$0x0] =	vst.idx.msk $0xffff, v45  }
0x8f: {  	s23 =	simm.s32 $0x80;
	v42 =	vor.u32 $0x380, v21;
	v53 =	vor.u32 $0x380, v20;
	v56 =	vor.u32 $0x180, v28;
	[tilespmem:v2+s16+$0x0] =	vst.idx.msk $0xffff, v63;
	v55 =	vld.idx.msk [tilespmem:v1+s13+$0x0], $0xffff  }
0x90: {  	s24 =	simm.s32 $0xA0;
	s25 =	simm.s32 $0x2A0;
	s22 =	simm.s32 $0x4;
	v50 =	vor.u32 $0x200, v28;
	v51 =	vor.u32 $0x280, v33;
	[tilespmem:v5+s16+$0x0] =	vst.idx.msk $0xffff, v61;
	v57 =	vor.u32 $0x180, v31;
	v45 =	vld.idx.msk [tilespmem:v4+s13+$0x0], $0xffff  }
.LBB2_2:
0x91: {  	_ = 	snop  }
0x92: {  	s28 =	sadd.s32 $0x20, s23  }
0x93: {  	v61 =	vld.idx.msk [tilespmem:v35+s14+$0x0], $0xffff;
	v1 =	vmov s28  }
0x94: {  	[tilespmem:v56+s16+$0x0] =	vst.idx.msk $0xffff, v54;
	v54 =	vshrl.u32 v1, $0x7;
	v1 =	vld [tilespmem:$0x1FFA0];
	_ =	sdelay $0x1  }
0x95: {  	s26 =	sadd.s32 $0x10, s23;
	s29 =	sadd.s32 $0x30, s23;
	v58 =	vor.u32 $0x200, v25;
	v59 =	vor.u32 $0x200, v33;
	v52 =	vld [tilespmem:s24+$0xFFFFFFE0]  }
0x96: {  	v0 =	vor.u32 s26, v8;
	v62 =	vor.u32 s28, v8;
	v3 =	vmov s29;
	[tilespmem:v13+s17+$0x0] =	vst.idx.msk $0xffff, v48  }
0x97: {  	v4 =	vor.u32 s29, v8;
	v62 =	vand.u32 $0x6F, v62;
	v13 =	vmovc v23;
	v23 =	vmov s26;
	[tilespmem:v49+s16+$0x0] =	vst.idx.msk $0xffff, v46;
	v49 =	vld.idx.msk [tilespmem:v41+s14+$0x0], $0xffff  }
0x98: {  	[tilespmem:v44+s16+$0x0] =	vst.idx.msk $0xffff, v43;
	v43 =	vshrl.u32 v3, $0x7;
	v23 =	vshrl.u32 v23, $0x7;
	v41 =	vand.u32 $0x5F, v0;
	v53 =	vld.idx.msk [tilespmem:v53+s13+$0x0], $0xffff  }
0x99: {  	v0 =	vand.u32 $0x7F, v4;
	v5 =	vshll.u32 v43, $0x8;
	v3 =	vshll.u32 v43, $0xA  }
0x9a: {  	v56 =	vld [tilespmem:s25+$0x10];
	[tilespmem:v57+s16+$0x0] =	vst.idx.msk $0xffff, v55;
	v2 =	vshll.u32 v23, $0x8;
	v46 =	vor.u32 v0, v5;
	v0 =	vor.u32 v0, v3  }
0x9b: {  	v48 =	vshll.u32 v23, $0xA;
	v57 =	vld [tilespmem:s24+$0xFFFFFFF0];
	v3 =	vadd.s32 $0x880, v12;
	v23 =	vor.u32 v41, v2;
	[tilespmem:v1+s17+$0x0] =	vst.idx.msk $0xffff, v61;
	v61 =	vmovc v16  }
0x9c: {  	v63 =	vshll.u32 v54, $0x8;
	v54 =	vshll.u32 v54, $0xA;
	v44 =	vor.u32 $0x80, v23;
	[tilespmem:$0x1FFA0] =	vst v61;
	v61 =	vld [tilespmem:s25+$0xFFFFFFE0]  }
0x9d: {  	v16 =	vmov v23;
	v23 =	vor.u32 v62, v63;
	[tilespmem:v42+s16+$0x0] =	vst.idx.msk $0xffff, v53;
	v42 =	vor.u32 v62, v54;
	v62 =	vld [tilespmem:$0x1FFC0]  }
0x9e: {  	v55 =	vld [tilespmem:s25+$0x0]  }
0x9f: {  	v59 =	vld.idx.msk [tilespmem:v59+s13+$0x0], $0xffff  }
0xa0: {  	v4 =	vmov s23;
	v3 =	vld.idx.msk [tilespmem:v3+s13+$0x0], $0xffff  }
0xa1: {  	v58 =	vld.idx.msk [tilespmem:v58+s13+$0x0], $0xffff  }
0xa2: {  	v60 =	vor.u32 $0x200, v31;
	v63 =	vor.u32 $0x80, v23;
	v54 =	vld [tilespmem:s24+$0x10]  }
0xa3: {  	v41 =	vor.u32 v41, v48;
	v43 =	vor.u32 $0x80, v46;
	v48 =	vshrl.u32 v4, $0x7;
	v4 =	vmovc v19;
	v19 =	vmovc v63;
	v63 =	vld.idx.msk [tilespmem:v46+s12+$0x0], $0xffff  }
0xa4: {  	v5 =	vor.u32 s23, v8;
	v12 =	vmov v36;
	v36 =	vld.idx.msk [tilespmem:v47+s13+$0x0], $0xffff  }
0xa5: {  	v1 =	vor.u32 $0x280, v25;
	v53 =	vand.u32 $0x4F, v5;
	v5 =	vshll.u32 v48, $0x8;
	[tilespmem:v62+s17+$0x0] =	vst.idx.msk $0xffff, v49;
	v62 =	vld [tilespmem:s25+$0xFFFFFFF0]  }
0xa6: {  	v49 =	vor.u32 v53, v5;
	v5 =	vld [tilespmem:$0x1FFD0]  }
0xa7: {  	[tilespmem:v50+s16+$0x0] =	vst.idx.msk $0xffff, v58;
	v50 =	vor.u32 $0x1000, v21;
	v2 =	vld [tilespmem:s24+$0x0]  }
0xa8: {  	v58 =	vadd.s32 $0x880, v20;
	[tilespmem:v60+s16+$0x0] =	vst.idx.msk $0xffff, v59;
	v60 =	vmul.u32 $0xA, v57;
	v57 =	vld.idx.msk [tilespmem:v43+s12+$0x0], $0xffff  }
0xa9: {  	v6 =	vmov v29;
	v48 =	vshll.u32 v48, $0xA;
	v47 =	vor.u32 $0x280, v31;
	v51 =	vld.idx.msk [tilespmem:v51+s13+$0x0], $0xffff  }
0xaa: {  	v1 =	vld.idx.msk [tilespmem:v1+s13+$0x0], $0xffff;
	v59 =	vor.u32 $0x1080, v11;
	v11 =	vmovc v27;
	v27 =	vmovc v0;
	v0 =	vmul.u32 $0xA, v54;
	v54 =	vor.u32 $0x280, v28  }
0xab: {  	v53 =	vor.u32 v53, v48;
	v20 =	vmovc v37;
	v48 =	vor.u32 $0x80, v49;
	v29 =	vld.idx.msk [tilespmem:v44+s12+$0x0], $0xffff;
	v37 =	vadd.s32 v60, v62  }
0xac: {  	v60 =	vor.u32 $0x1080, v21;
	v21 =	vmovc v30;
	v30 =	vmov v53;
	v53 =	vld.idx.msk [tilespmem:v16+s12+$0x0], $0xffff;
	[tilespmem:v50+s16+$0x0] =	vst.idx.msk $0xffff, v36;
	v36 =	vor.u32 $0x300, v33  }
0xad: {  	v62 =	vor.u32 $0x180, v11;
	v5 =	vshll.u32 v5, $0x8;
	v50 =	vld.idx.msk [tilespmem:v58+s13+$0x0], $0xffff;
	v58 =	vor.u32 $0x300, v25  }
0xae: {  	v5 =	vor.u32 v10, v5;
	v10 =	vmov v32;
	v32 =	vld.idx.msk [tilespmem:v23+s12+$0x0], $0xffff;
	[tilespmem:v47+s16+$0x0] =	vst.idx.msk $0xffff, v51;
	v51 =	vmul.u32 $0xA, v52  }
0xaf: {  	[tilespmem:v54+s16+$0x0] =	vst.idx.msk $0xffff, v1;
	v1 =	vor.u32 $0x200, v12;
	v47 =	vor.u32 $0x80, v35;
	v35 =	vmov v39;
	v39 =	vld.idx.msk [tilespmem:v49+s12+$0x0], $0xffff  }
0xb0: {  	[tilespmem:v59+s16+$0x0] =	vst.idx.msk $0xffff, v3;
	v3 =	vadd.s32 v51, v61;
	v51 =	vld.idx.msk [tilespmem:v19+s12+$0x0], $0xffff  }
0xb1: {  	v0 =	vadd.s32 v0, v56;
	v59 =	vld.idx.msk [tilespmem:v36+s13+$0x0], $0xffff  }
0xb2: {  	vm1 =	vgt.f32 v29, v53;
	[tilespmem:v62+s16+$0x0] =	vst.idx.msk $0xffff, v45;
	v45 =	vld.idx.msk [tilespmem:v58+s13+$0x0], $0xffff;
	v58 =	vor.u32 $0x300, v31  }
0xb3: {  	vm0 =	vgt.f32 v57, v63;
	v57 =	vor.u32 $0x300, v28;
	v52 =	vld.idx.msk [tilespmem:v48+s12+$0x0], $0xffff;
	v62 =	vsel vm1, $0x64, v9  }
0xb4: {  	v29 =	vsel vm0, $0x64, v9;
	[tilespmem:v60+s16+$0x0] =	vst.idx.msk $0xffff, v50;
	v1 =	vld.idx.msk [tilespmem:v1+s13+$0x0], $0xffff;
	v36 =	vadd.s32 v62, v37;
	v37 =	vor.u32 $0x380, v33  }
0xb5: {  	v2 =	vmul.u32 $0xA, v2;
	v0 =	vadd.s32 v29, v0;
	v61 =	vld.idx.msk [tilespmem:v34+s14+$0x0], $0xffff  }
0xb6: {  	v29 =	vshrl.u32 v0, $0x7;
	vm15 =	vgt.f32 v51, v32;
	v32 =	vand.u32 $0x7F, v0;
	v0 =	vld.idx.msk [tilespmem:v47+s14+$0x0], $0xffff  }
0xb7: {  	v7 =	vor.u32 $0x200, v11;
	v2 =	vadd.s32 v2, v55;
	v62 =	vsel vm15, $0x64, v9;
	[tilespmem:v58+s16+$0x0] =	vst.idx.msk $0xffff, v59;
	v59 =	vld [tilespmem:$0x1FFE0]  }
0xb8: {  	v55 =	vor.u32 $0x380, v31;
	v50 =	vshrl.u32 v36, $0x7;
	v2 =	vadd.s32 v62, v2;
	v62 =	vld [tilespmem:$0x1FF80]  }
0xb9: {  	v53 =	vor.u32 $0x380, v25;
	v60 =	vand.u32 $0x7F, v36;
	v63 =	vshll.u32 v50, $0xA;
	[tilespmem:v57+s16+$0x0] =	vst.idx.msk $0xffff, v45;
	v45 =	vld.idx.msk [tilespmem:v37+s13+$0x0], $0xffff  }
0xba: {  	vm14 =	vgt.f32 v52, v39;
	v52 =	vor.u32 v60, v63;
	v58 =	vld [tilespmem:$0x1FFB0]  }
0xbb: {  	[tilespmem:$0x1FFC0] =	vst v4;
	v56 =	vor.u32 $0x80, v5;
	v5 =	vld.idx.msk [tilespmem:v5+s14+$0x0], $0xffff;
	v39 =	vor.u32 $0x280, v12  }
0xbc: {  	[tilespmem:$0x1FFD0] =	vst v6  }
0xbd: {  	v6 =	vor.u32 $0x380, v28;
	v36 =	vshll.u32 v29, $0xA;
	v51 =	vsel vm14, $0x64, v9;
	[tilespmem:v7+s16+$0x0] =	vst.idx.msk $0xffff, v1  }
0xbe: {  	v36 =	vor.u32 v32, v36;
	v3 =	vadd.s32 v51, v3;
	v53 =	vld.idx.msk [tilespmem:v53+s13+$0x0], $0xffff;
	[tilespmem:v55+s16+$0x0] =	vst.idx.msk $0xffff, v45  }
0xbf: {  	v4 =	vor.u32 $0x80, v34;
	v34 =	vmovc v38;
	v38 =	vshrl.u32 v3, $0x7;
	v1 =	vand.u32 $0x7F, v3;
	v3 =	vld.idx.msk [tilespmem:v52+s13+$0x0], $0xffff;
	[tilespmem:v59+s17+$0x0] =	vst.idx.msk $0xffff, v61  }
0xc0: {  	v57 =	vld.idx.msk [tilespmem:v39+s13+$0x0], $0xffff;
	v61 =	vmov v22;
	v22 =	vor.u32 $0x280, v11;
	[tilespmem:v62+s17+$0x0] =	vst.idx.msk $0xffff, v5  }
0xc1: {  	[tilespmem:$0x1FFE0] =	vst v61;
	v61 =	vor.u32 $0x80, v52  }
0xc2: {  	[tilespmem:v58+s17+$0x0] =	vst.idx.msk $0xffff, v0  }
0xc3: {  	v54 =	vor.u32 $0x100, v21;
	v51 =	vor.u32 $0x180, v20;
	v0 =	vld.idx.msk [tilespmem:v36+s13+$0x0], $0xffff;
	[tilespmem:v6+s16+$0x0] =	vst.idx.msk $0xffff, v53  }
0xc4: {  	v47 =	vshrl.u32 v2, $0x7;
	v63 =	vshll.u32 v38, $0xA;
	v2 =	vand.u32 $0x7F, v2;
	v45 =	vld.idx.msk [tilespmem:v56+s14+$0x0], $0xffff;
	[tilespmem:v41+s16+$0x0] =	vst.idx.msk $0xffff, v3  }
0xc5: {  	v7 =	vshll.u32 v47, $0xA;
	v37 =	vor.u32 v1, v63;
	v63 =	vshll.u32 v38, $0x8;
	[tilespmem:v22+s16+$0x0] =	vst.idx.msk $0xffff, v57;
	v57 =	vld [tilespmem:$0x1FFF0]  }
0xc6: {  	v7 =	vor.u32 v2, v7;
	v38 =	vor.u32 v1, v63;
	v1 =	vld.idx.msk [tilespmem:v61+s13+$0x0], $0xffff  }
0xc7: {  	v50 =	vshll.u32 v50, $0x8;
	v59 =	vadd.s32 $0x800, v33;
	v61 =	vld [tilespmem:$0x1FF90]  }
0xc8: {  	v39 =	vor.u32 v60, v50;
	v60 =	vmov v17;
	v62 =	vmov v14;
	v4 =	vld.idx.msk [tilespmem:v4+s14+$0x0], $0xffff;
	[tilespmem:v54+s16+$0x0] =	vst.idx.msk $0xffff, v40  }
0xc9: {  	[tilespmem:$0x1FFB0] =	vst v60;
	v63 =	vor.u32 $0x180, v21;
	v6 =	vor.u32 $0x300, v12;
	v50 =	vld.idx.msk [tilespmem:v51+s13+$0x0], $0xffff  }
0xca: {  	[tilespmem:$0x1FF80] =	vst v62;
	v51 =	vadd.s32 $0x800, v25  }
0xcb: {  	v56 =	vor.u32 $0x200, v20;
	v3 =	vld.idx.msk [tilespmem:v7+s13+$0x0], $0xffff;
	v62 =	vmov v15;
	[tilespmem:v27+s16+$0x0] =	vst.idx.msk $0xffff, v0  }
0xcc: {  	v58 =	vmovc v18;
	v18 =	vmov v48;
	v48 =	vor.u32 $0x1000, v31;
	v40 =	vld.idx.msk [tilespmem:v59+s13+$0x0], $0xffff;
	v59 =	vor.u32 $0x80, v7;
	[tilespmem:$0x1FF90] =	vst v62  }
0xcd: {  	v17 =	vmov v44;
	v5 =	vor.u32 $0x80, v36;
	v44 =	vld.idx.msk [tilespmem:v37+s13+$0x0], $0xffff;
	[tilespmem:v57+s17+$0x0] =	vst.idx.msk $0xffff, v4  }
0xce: {  	v60 =	vor.u32 $0x80, v37;
	v6 =	vld.idx.msk [tilespmem:v6+s13+$0x0], $0xffff;
	[tilespmem:v63+s16+$0x0] =	vst.idx.msk $0xffff, v50;
	v63 =	vor.u32 $0x300, v11  }
0xcf: {  	v51 =	vld.idx.msk [tilespmem:v51+s13+$0x0], $0xffff;
	[tilespmem:v61+s17+$0x0] =	vst.idx.msk $0xffff, v45;
	v45 =	vadd.s32 $0x880, v33;
	v33 =	vmov v7;
	v7 =	vor.u32 $0x80, v41  }
0xd0: {  	v22 =	vmov v49;
	[tilespmem:v42+s16+$0x0] =	vst.idx.msk $0xffff, v3;
	v3 =	vor.u32 $0x200, v21;
	v50 =	vor.u32 $0x380, v12;
	v49 =	vld.idx.msk [tilespmem:v56+s13+$0x0], $0xffff  }
0xd1: {  	v55 =	vor.u32 $0x1000, v28;
	v54 =	vor.u32 $0x100, v52;
	v4 =	vld.idx.msk [tilespmem:v59+s13+$0x0], $0xffff;
	[tilespmem:v48+s16+$0x0] =	vst.idx.msk $0xffff, v40  }
0xd2: {  	v5 =	vld.idx.msk [tilespmem:v5+s13+$0x0], $0xffff;
	[tilespmem:v30+s16+$0x0] =	vst.idx.msk $0xffff, v44;
	v44 =	vor.u32 $0x280, v20;
	v56 =	vor.u32 $0x80, v42  }
0xd3: {  	v62 =	vor.u32 $0x80, v27;
	v0 =	vld.idx.msk [tilespmem:v60+s13+$0x0], $0xffff;
	v60 =	vadd.s32 $0x880, v25;
	[tilespmem:v63+s16+$0x0] =	vst.idx.msk $0xffff, v6  }
0xd4: {  	v53 =	vor.u32 $0x80, v30;
	v61 =	vor.u32 $0x100, v33;
	v45 =	vld.idx.msk [tilespmem:v45+s13+$0x0], $0xffff;
	[tilespmem:v7+s16+$0x0] =	vst.idx.msk $0xffff, v1  }
0xd5: {  	v15 =	vmov v43;
	v43 =	vor.u32 $0x100, v36;
	v6 =	vld.idx.msk [tilespmem:v50+s13+$0x0], $0xffff;
	[tilespmem:v3+s16+$0x0] =	vst.idx.msk $0xffff, v49  }
0xd6: {  	v59 =	vshll.u32 v24, $0x8;
	v63 =	vor.u32 $0x1080, v31;
	v31 =	vmovc v42;
	v7 =	vor.u32 $0x100, v37;
	v42 =	vld.idx.msk [tilespmem:v54+s13+$0x0], $0xffff;
	[tilespmem:v55+s16+$0x0] =	vst.idx.msk $0xffff, v51  }
0xd7: {  	v14 =	vmov v46;
	v46 =	vor.u32 $0x380, v11;
	v3 =	vor.u32 v26, v59;
	[tilespmem:v56+s16+$0x0] =	vst.idx.msk $0xffff, v4;
	v44 =	vld.idx.msk [tilespmem:v44+s13+$0x0], $0xffff  }
0xd8: {  	v24 =	vmovc v47;
	v47 =	vadd.s32 $0x800, v12;
	v25 =	vmov v52;
	v49 =	vor.u32 $0x100, v41;
	[tilespmem:v62+s16+$0x0] =	vst.idx.msk $0xffff, v5;
	v4 =	vld.idx.msk [tilespmem:v60+s13+$0x0], $0xffff  }
0xd9: {  	v26 =	vmov v2;
	v2 =	vor.u32 $0x280, v21;
	v50 =	vld.idx.msk [tilespmem:v61+s13+$0x0], $0xffff;
	[tilespmem:v53+s16+$0x0] =	vst.idx.msk $0xffff, v0;
	v0 =	vor.u32 $0x180, v25  }
0xda: {  	[tilespmem:$0x1FFF0] =	vst v58;
	v5 =	vor.u32 $0x300, v20;
	v62 =	vor.u32 $0x100, v27;
	v61 =	vld.idx.msk [tilespmem:v43+s13+$0x0], $0xffff  }
0xdb: {  	s22 =	sadd.s32 $0x4, s22;
	v52 =	vor.u32 $0x180, v36;
	v60 =	vor.u32 $0x100, v31;
	v40 =	vld.idx.msk [tilespmem:v7+s13+$0x0], $0xffff;
	[tilespmem:v63+s16+$0x0] =	vst.idx.msk $0xffff, v45  }
0xdc: {  	p0 =	slt.u32 s22, $0x1C;
	v7 =	vor.u32 $0x180, v33;
	v63 =	vor.u32 $0x1080, v28;
	v48 =	vld.idx.msk [tilespmem:v3+s14+$0x0], $0xffff;
	[tilespmem:v46+s16+$0x0] =	vst.idx.msk $0xffff, v6  }
.Ltmp0:
0xdd: {  	[tilespmem:v49+s16+$0x0] =	vst.idx.msk $0xffff, v42;
	v43 =	vld.idx.msk [tilespmem:v47+s13+$0x0], $0xffff;
	(pc) =	sbr.rel @p0 .LBB2_2-.Ltmp0, $4  }
0xde: {  	v57 =	vor.u32 $0x180, v31;
	[tilespmem:v2+s16+$0x0] =	vst.idx.msk $0xffff, v44;
	v54 =	vld.idx.msk [tilespmem:v0+s13+$0x0], $0xffff  }
0xdf: {  	v51 =	vor.u32 $0x280, v33;
	v53 =	vor.u32 $0x380, v20;
	v28 =	vmovc v41;
	v41 =	vor.u32 $0x80, v3;
	[tilespmem:v62+s16+$0x0] =	vst.idx.msk $0xffff, v61;
	v46 =	vld.idx.msk [tilespmem:v5+s13+$0x0], $0xffff  }
0xe0: {  	v49 =	vor.u32 $0x300, v21;
	v42 =	vor.u32 $0x380, v21;
	v56 =	vor.u32 $0x180, v28;
	[tilespmem:v60+s16+$0x0] =	vst.idx.msk $0xffff, v50;
	v45 =	vld.idx.msk [tilespmem:v52+s13+$0x0], $0xffff  }
0xe1: {  	s23 =	sadd.s32 $0x40, s23;
	s25 =	sadd.s32 $0x40, s25;
	s24 =	sadd.s32 $0x40, s24;
	v44 =	vor.u32 $0x1000, v11;
	v47 =	vadd.s32 $0x800, v20;
	v50 =	vor.u32 $0x200, v28;
	v55 =	vld.idx.msk [tilespmem:v7+s13+$0x0], $0xffff;
	[tilespmem:v63+s16+$0x0] =	vst.idx.msk $0xffff, v4  }
0xe2: {  	v0 =	vor.u32 $0x100, v30  }
0xe3: {  	v1 =	vor.u32 $0x180, v37;
	_ =	sdelay $0x1  }
0xe4: {  	v4 =	vor.u32 $0x180, v27  }
0xe5: {  	v6 =	vor.u32 $0x200, v36  }
0xe6: {  	v2 =	vor.u32 $0x200, v33;
	[tilespmem:v0+s16+$0x0] =	vst.idx.msk $0xffff, v40  }
0xe7: {  	v3 =	vor.u32 $0x180, v30;
	v0 =	vor.u32 $0x200, v25;
	v1 =	vld.idx.msk [tilespmem:v1+s13+$0x0], $0xffff  }
0xe8: {  	v5 =	vor.u32 $0x200, v37;
	[tilespmem:v56+s16+$0x0] =	vst.idx.msk $0xffff, v54  }
0xe9: {  	[tilespmem:v4+s16+$0x0] =	vst.idx.msk $0xffff, v45  }
0xea: {  	v54 =	vor.u32 $0x200, v27;
	[tilespmem:v57+s16+$0x0] =	vst.idx.msk $0xffff, v55;
	v6 =	vld.idx.msk [tilespmem:v6+s13+$0x0], $0xffff  }
0xeb: {  	v7 =	vor.u32 $0x200, v31;
	v56 =	vor.u32 $0x280, v36;
	v2 =	vld.idx.msk [tilespmem:v2+s13+$0x0], $0xffff  }
0xec: {  	v0 =	vld.idx.msk [tilespmem:v0+s13+$0x0], $0xffff;
	[tilespmem:v3+s16+$0x0] =	vst.idx.msk $0xffff, v1  }
0xed: {  	v52 =	vor.u32 $0x200, v30;
	v1 =	vor.u32 $0x280, v25;
	v3 =	vld.idx.msk [tilespmem:v5+s13+$0x0], $0xffff  }
0xee: {  	v55 =	vor.u32 $0x280, v37  }
0xef: {  	[tilespmem:v54+s16+$0x0] =	vst.idx.msk $0xffff, v6  }
0xf0: {  	v60 =	vor.u32 $0x280, v27;
	[tilespmem:v7+s16+$0x0] =	vst.idx.msk $0xffff, v2;
	v6 =	vld.idx.msk [tilespmem:v56+s13+$0x0], $0xffff  }
0xf1: {  	v62 =	vor.u32 $0x300, v36;
	v2 =	vor.u32 $0x280, v31;
	[tilespmem:v50+s16+$0x0] =	vst.idx.msk $0xffff, v0;
	v0 =	vld.idx.msk [tilespmem:v51+s13+$0x0], $0xffff  }
0xf2: {  	v58 =	vor.u32 $0x300, v33;
	v57 =	vor.u32 $0x280, v28;
	v1 =	vld.idx.msk [tilespmem:v1+s13+$0x0], $0xffff;
	[tilespmem:v52+s16+$0x0] =	vst.idx.msk $0xffff, v3  }
0xf3: {  	v59 =	vor.u32 $0x280, v30;
	[tilespmem:v13+s17+$0x0] =	vst.idx.msk $0xffff, v48;
	v3 =	vor.u32 $0x300, v25;
	v4 =	vld.idx.msk [tilespmem:v55+s13+$0x0], $0xffff  }
0xf4: {  	v61 =	vor.u32 $0x300, v37;
	[tilespmem:v49+s16+$0x0] =	vst.idx.msk $0xffff, v46  }
0xf5: {  	v46 =	vld.idx.msk [tilespmem:v53+s13+$0x0], $0xffff;
	[tilespmem:v60+s16+$0x0] =	vst.idx.msk $0xffff, v6  }
0xf6: {  	v49 =	vor.u32 $0x300, v27;
	v13 =	vld.idx.msk [tilespmem:v62+s13+$0x0], $0xffff;
	[tilespmem:v2+s16+$0x0] =	vst.idx.msk $0xffff, v0  }
0xf7: {  	[tilespmem:v57+s16+$0x0] =	vst.idx.msk $0xffff, v1;
	v0 =	vld.idx.msk [tilespmem:v58+s13+$0x0], $0xffff;
	v1 =	vor.u32 $0x300, v31  }
0xf8: {  	v52 =	vor.u32 $0x380, v36;
	v2 =	vor.u32 $0x300, v28;
	v3 =	vld.idx.msk [tilespmem:v3+s13+$0x0], $0xffff;
	[tilespmem:v59+s16+$0x0] =	vst.idx.msk $0xffff, v4  }
0xf9: {  	v63 =	vor.u32 $0x380, v33;
	v48 =	vor.u32 $0x300, v30;
	[tilespmem:v44+s16+$0x0] =	vst.idx.msk $0xffff, v43;
	v5 =	vld.idx.msk [tilespmem:v61+s13+$0x0], $0xffff  }
0xfa: {  	[tilespmem:v42+s16+$0x0] =	vst.idx.msk $0xffff, v46  }
0xfb: {  	v9 =	vor.u32 $0x380, v25;
	[tilespmem:v49+s16+$0x0] =	vst.idx.msk $0xffff, v13  }
0xfc: {  	v53 =	vld.idx.msk [tilespmem:v47+s13+$0x0], $0xffff;
	v50 =	vor.u32 $0x380, v37;
	[tilespmem:v1+s16+$0x0] =	vst.idx.msk $0xffff, v0  }
0xfd: {  	v54 =	vor.u32 $0x1000, v21;
	v59 =	vld.idx.msk [tilespmem:v52+s13+$0x0], $0xffff;
	[tilespmem:v2+s16+$0x0] =	vst.idx.msk $0xffff, v3  }
0xfe: {  	v60 =	vor.u32 $0x380, v27;
	v2 =	vld.idx.msk [tilespmem:v63+s13+$0x0], $0xffff;
	[tilespmem:v48+s16+$0x0] =	vst.idx.msk $0xffff, v5  }
0xff: {  	v1 =	vor.u32 $0x380, v31;
	v8 =	vld [tilespmem:$0x1FFA0]  }
0x100: {  	v3 =	vor.u32 $0x380, v28;
	v4 =	vld.idx.msk [tilespmem:v9+s13+$0x0], $0xffff  }
0x101: {  	v57 =	vor.u32 $0x380, v30;
	v58 =	vld.idx.msk [tilespmem:v50+s13+$0x0], $0xffff  }
0x102: {  	v51 =	vld.idx.msk [tilespmem:v35+s14+$0x0], $0xffff;
	[tilespmem:v54+s16+$0x0] =	vst.idx.msk $0xffff, v53  }
0x103: {  	[tilespmem:v60+s16+$0x0] =	vst.idx.msk $0xffff, v59  }
0x104: {  	[tilespmem:v1+s16+$0x0] =	vst.idx.msk $0xffff, v2  }
0x105: {  	[tilespmem:v3+s16+$0x0] =	vst.idx.msk $0xffff, v4  }
0x106: {  	v12 =	vadd.s32 $0x880, v12;
	[tilespmem:v57+s16+$0x0] =	vst.idx.msk $0xffff, v58  }
0x107: {  	v0 =	vadd.s32 $0x880, v20;
	[tilespmem:v8+s17+$0x0] =	vst.idx.msk $0xffff, v51  }
0x108: {  	v55 =	vadd.s32 $0x800, v33;
	v9 =	vld [tilespmem:$0x1FFC0]  }
0x109: {  	v56 =	vadd.s32 $0x800, v25  }
0x10a: {  	v41 =	vld.idx.msk [tilespmem:v41+s14+$0x0], $0xffff;
	v61 =	vadd.s32 $0x800, v37  }
0x10b: {  	v12 =	vld.idx.msk [tilespmem:v12+s13+$0x0], $0xffff;
	v62 =	vadd.s32 $0x800, v36  }
0x10c: {  	v63 =	vor.u32 $0x1080, v21;
	v0 =	vld.idx.msk [tilespmem:v0+s13+$0x0], $0xffff  }
0x10d: {  	v2 =	vor.u32 $0x1000, v31;
	v1 =	vld.idx.msk [tilespmem:v55+s13+$0x0], $0xffff  }
0x10e: {  	v3 =	vadd.s32 $0x880, v33;
	v33 =	vor.u32 $0x1000, v28;
	v4 =	vld.idx.msk [tilespmem:v56+s13+$0x0], $0xffff  }
0x10f: {  	v45 =	vor.u32 $0x1000, v30;
	v44 =	vld.idx.msk [tilespmem:v61+s13+$0x0], $0xffff  }
0x110: {  	v47 =	vor.u32 $0x1000, v27;
	v46 =	vld.idx.msk [tilespmem:v62+s13+$0x0], $0xffff;
	[tilespmem:v9+s17+$0x0] =	vst.idx.msk $0xffff, v41  }
0x111: {  	v11 =	vor.u32 $0x1080, v11;
	v9 =	vld [tilespmem:$0x1FFD0];
	[tilespmem:v63+s16+$0x0] =	vst.idx.msk $0xffff, v0  }
0x112: {  	[tilespmem:v2+s16+$0x0] =	vst.idx.msk $0xffff, v1  }
0x113: {  	v43 =	vadd.s32 $0x880, v25;
	[tilespmem:v33+s16+$0x0] =	vst.idx.msk $0xffff, v4  }
0x114: {  	v48 =	vadd.s32 $0x880, v37;
	[tilespmem:v45+s16+$0x0] =	vst.idx.msk $0xffff, v44  }
0x115: {  	[tilespmem:v47+s16+$0x0] =	vst.idx.msk $0xffff, v46  }
0x116: {  	v0 =	vadd.s32 $0x880, v36;
	[tilespmem:v11+s16+$0x0] =	vst.idx.msk $0xffff, v12;
	v2 =	vld.idx.msk [tilespmem:v3+s13+$0x0], $0xffff  }
0x117: {  	v3 =	vor.u32 $0x1080, v31;
	v20 =	vld [tilespmem:$0x1FFE0]  }
0x118: {  	v52 =	vor.u32 $0x1080, v28;
	v5 =	vld.idx.msk [tilespmem:v43+s13+$0x0], $0xffff  }
0x119: {  	v53 =	vor.u32 $0x1080, v30;
	v8 =	vld.idx.msk [tilespmem:v48+s13+$0x0], $0xffff  }
0x11a: {  	v49 =	vld.idx.msk [tilespmem:v34+s14+$0x0], $0xffff  }
0x11b: {  	v54 =	vor.u32 $0x1080, v27;
	v0 =	vld.idx.msk [tilespmem:v0+s13+$0x0], $0xffff  }
0x11c: {  	[tilespmem:v3+s16+$0x0] =	vst.idx.msk $0xffff, v2  }
0x11d: {  	[tilespmem:v52+s16+$0x0] =	vst.idx.msk $0xffff, v5  }
0x11e: {  	v9 =	vshll.u32 v9, $0x8;
	[tilespmem:v53+s16+$0x0] =	vst.idx.msk $0xffff, v8  }
0x11f: {  	v9 =	vor.u32 v10, v9;
	[tilespmem:v20+s17+$0x0] =	vst.idx.msk $0xffff, v49  }
0x120: {  	[tilespmem:v54+s16+$0x0] =	vst.idx.msk $0xffff, v0  }
0x121: {  	v7 =	vld [tilespmem:$0x1FF80]  }
0x122: {  	v50 =	vshll.u32 v24, $0x8  }
0x123: {  	v51 =	vor.u32 v26, v50  }
0x124: {  	v56 =	vld.idx.msk [tilespmem:v9+s14+$0x0], $0xffff;
	_ =	sdelay $0x1  }
0x125: {  	v55 =	vshll.u32 v29, $0x8  }
0x126: {  	v57 =	vor.u32 v32, v55  }
0x127: {  	v1 =	vor.u32 $0x80, v35;
	v3 =	vld.idx.msk [tilespmem:v51+s14+$0x0], $0xffff  }
0x128: {  	v5 =	vld.idx.msk [tilespmem:v39+s14+$0x0], $0xffff;
	[tilespmem:v7+s17+$0x0] =	vst.idx.msk $0xffff, v56  }
0x129: {  	v11 =	vld [tilespmem:$0x1FFB0]  }
0x12a: {  	v0 =	vld.idx.msk [tilespmem:v38+s14+$0x0], $0xffff  }
0x12b: {  	v61 =	vld.idx.msk [tilespmem:v57+s14+$0x0], $0xffff  }
0x12c: {  	v1 =	vld.idx.msk [tilespmem:v1+s14+$0x0], $0xffff  }
0x12d: {  	[tilespmem:v23+s17+$0x0] =	vst.idx.msk $0xffff, v3  }
0x12e: {  	[tilespmem:v16+s17+$0x0] =	vst.idx.msk $0xffff, v5  }
0x12f: {  	[tilespmem:v22+s17+$0x0] =	vst.idx.msk $0xffff, v0  }
0x130: {  	v58 =	vor.u32 $0x80, v34;
	[tilespmem:v14+s17+$0x0] =	vst.idx.msk $0xffff, v61  }
0x131: {  	[tilespmem:v11+s17+$0x0] =	vst.idx.msk $0xffff, v1  }
0x132: {  	v5 =	vld [tilespmem:$0x1FFF0];
	_ =	sdelay $0x1  }
0x133: {  	v4 =	vor.u32 $0x80, v51  }
0x134: {  	v59 =	vor.u32 $0x80, v39;
	v62 =	vld.idx.msk [tilespmem:v58+s14+$0x0], $0xffff;
	_ =	sdelay $0x1  }
0x135: {  	v60 =	vor.u32 $0x80, v38  }
0x136: {  	v1 =	vor.u32 $0x80, v57  }
0x137: {  	v2 =	vor.u32 $0x80, v9;
	v3 =	vld.idx.msk [tilespmem:v4+s14+$0x0], $0xffff  }
0x138: {  	v63 =	vld.idx.msk [tilespmem:v59+s14+$0x0], $0xffff;
	[tilespmem:v5+s17+$0x0] =	vst.idx.msk $0xffff, v62  }
0x139: {  	v5 =	vld [tilespmem:$0x1FF90]  }
0x13a: {  	v0 =	vld.idx.msk [tilespmem:v60+s14+$0x0], $0xffff  }
0x13b: {  	v1 =	vld.idx.msk [tilespmem:v1+s14+$0x0], $0xffff  }
0x13c: {  	v2 =	vld.idx.msk [tilespmem:v2+s14+$0x0], $0xffff  }
0x13d: {  	[tilespmem:v19+s17+$0x0] =	vst.idx.msk $0xffff, v3  }
0x13e: {  	[tilespmem:v17+s17+$0x0] =	vst.idx.msk $0xffff, v63  }
0x13f: {  	[tilespmem:v18+s17+$0x0] =	vst.idx.msk $0xffff, v0  }
0x140: {  	[tilespmem:v15+s17+$0x0] =	vst.idx.msk $0xffff, v1  }
0x141: {  	[tilespmem:v5+s17+$0x0] =	vst.idx.msk $0xffff, v2  }
0x142: {  	[hbm4b:s8+s18] =	stream.strided.scatter [tilespmem:s16], [sflag:$0x2], $0x2000, s19, s18, $0x38;
	[tilespmem:$0x3E00] =	vst v63  }
0x143: {  	s21 =	sadd.s32 $0x1, s21  }
0x144: {  	[hbm4b:s9+s4] =	stream.linear.scatter [tilespmem:s17], [sflag:$0x2], $0x400, $0x38;
	[tilespmem:$0x3E00] =	vst v63  }
0x145: {  	p0 =	sne.s32 s21, s10;
	_ =	swait.ge [sflag:s20], $0x2000  }
.Ltmp1:
0x146: {  	[sflag:s20] =	ssyncset.done $0x0;
	(pc) =	sbr.rel @p0 .LBB2_1-.Ltmp1, $4  }
0x147: {  	[sflag:s20] =	ssyncadd.s32 $0xFFFFE000  }
0x148: {  	_ =	swait.ge [sflag:s20], $0x400  }
0x149: {  	[sflag:s20] =	ssyncset.done $0x0  }
0x14a: {  	v0 =	vlaneseq.u32;
	v1 =	vimm.s32 $0x0;
	[sflag:s20] =	ssyncadd.s32 $0xFFFFFC00  }
0x14b: {  	_ =	sfence.sel $0x180000  }
0x14c: {  	[bflag:$0x0] =	sbarrier.arrive $0xFFFF  }
0x14d: {  	p0 =	sne.s32 s3, $0x0;
	_ =	strace $0x90000047  }
0x14e: {  	s0 =	sadd.s32 @!p0 $0x100000, s0;
	[bflag:$0x2] =	sbarrier.arrive $0xFFFF  }
0x14f: {  	[sflag:s0] =	ssyncadd.tile.s32 @!p0 $0x1;
	_ =	shalt  }
.Lfunc_end2:
_tile_overlayer_lowered:
.L_overlay_start_2:
0x150: {  	(tag) =	ssettag $0x2  }
0x151: {  	s0 =	rddreg [dreg:$0x0];
	s2 =	stileid.u32  }
0x152: {  	s1 =	rddreg [dreg:$0x1];
	p0 =	sne.s32 s2, $0x0  }
0x153: {  	s3 =	rddreg [dreg:$0x2];
	[bflag:$0x3] =	sbarrier.arrive $0xFFFF;
	s2 =	simm.s32 @!p0 $0x1C03  }
0x154: {  	[timem:s3], [sflag:s2] =	dma.local @!p0 [hbm:s0], s1  }
0x155: {  	s0 =	simm.s32 @!p0 $0x3  }
0x156: {  	_ =	swait.ge @!p0 [sflag:s0], s1  }
0x157: {  	s1 =	ssub.s32 @!p0 $0x0, s1;
	[sflag:s0] =	ssyncset.done @!p0 $0x0  }
0x158: {  	[sflag:s0] =	ssyncadd.s32 @!p0 s1  }
0x159: {  	[bflag:$0x3] =	sbarrier.arrive $0xFFFF  }
0x15a: {  	_ =	shalt  }

</sc_bundles>
